<compile_context>
chip_gen: v7x
topology: tpu7x:2x2x1
jax: 0.10.2.dev20260603
libtpu: 0.0.44.dev20260713+nightly
codegen_flags: <defaults>
</compile_context>

<pallas_src>
import functools

import jax
import jax.numpy as jnp
from jax import lax
from jax.experimental import pallas as pl
from jax.experimental.pallas import tpu as pltpu
from jax.experimental.pallas import tpu_sc as plsc

B = 16384
L = 50
EMBED = 64
NC, NS = 2, 16
NW = NC * NS
B_PER_W = B // NW
CHUNK = 128
KPL = B_PER_W // CHUNK
NBUF = 8
NGROUP = L * KPL // NBUF

_mesh = plsc.VectorSubcoreMesh(core_axis_name="c", subcore_axis_name="s")


@functools.partial(
    pl.kernel,
    mesh=_mesh,
    out_type=jax.ShapeDtypeStruct((L, B, EMBED), jnp.float32),
    scratch_types=[
        pltpu.VMEM((L, B_PER_W), jnp.int32),
        pltpu.VMEM((NBUF, CHUNK, EMBED), jnp.float32),
        pltpu.SemaphoreType.DMA((NBUF,)),
        pltpu.SemaphoreType.DMA((NBUF,)),
    ],
    compiler_params=pltpu.CompilerParams(use_tc_tiling_on_sc=False),
)
def _gather_all(idxt_hbm, table_hbm, out_hbm, idx_v, rows_v, semg, sems):
    wid = lax.axis_index("s") * NC + lax.axis_index("c")
    base = wid * B_PER_W

    pltpu.sync_copy(idxt_hbm.at[:, pl.ds(base, B_PER_W)], idx_v)

    def group(g, carry):
        for b in range(NBUF):
            l = 2 * g + b // KPL
            k = b % KPL

            @pl.when(g > 0)
            def _wait_store():
                pltpu.make_async_copy(
                    rows_v.at[b], out_hbm.at[0, pl.ds(0, CHUNK)], sems.at[b]
                ).wait()

            pltpu.async_copy(
                table_hbm.at[idx_v.at[l, pl.ds(k * CHUNK, CHUNK)]],
                rows_v.at[b],
                semg.at[b],
            )
        for b in range(NBUF):
            l = 2 * g + b // KPL
            k = b % KPL
            pltpu.make_async_copy(
                table_hbm.at[idx_v.at[l, pl.ds(k * CHUNK, CHUNK)]],
                rows_v.at[b],
                semg.at[b],
            ).wait()
            pltpu.async_copy(
                rows_v.at[b],
                out_hbm.at[l, pl.ds(base + k * CHUNK, CHUNK)],
                sems.at[b],
            )
        return carry

    lax.fori_loop(0, NGROUP, group, 0)

    for b in range(NBUF):
        pltpu.make_async_copy(
            rows_v.at[b], out_hbm.at[0, pl.ds(0, CHUNK)], sems.at[b]
        ).wait()


def kernel(input, table):
    return _gather_all(input.T, table).transpose(1, 0, 2)

# --- scband reference (transcript-rebuilt; emitter-appended) ---
"""Pipeline reference for scband-word-embedding-model-10368051053066 (READ-ONLY COPY).

The authoritative reference and input builder live on the scoring server;
editing this copy changes nothing except your own understanding.
"""

import jax, jax.numpy as jnp
import numpy as np

VOCAB = 1000000
EMBED = 64
B = 16384
L = 50

def setup_inputs(seed: int = 0) -> dict:
    key = jax.random.key(seed)
    k1, k2 = jax.random.split(key)
    indices = jax.random.randint(k1, (B, L), 0, VOCAB, dtype=jnp.int32)
    table = jax.random.normal(k2, (VOCAB, EMBED), dtype=jnp.float32) * 0.02
    return {"input": indices, "table": table}

def reference(input, table):
    # nn.Embedding forward: gather rows of the embedding table
    return jnp.take(table, input, axis=0)

if __name__ == "__main__":
    import jax
    _d = setup_inputs()
    print(jax.jit(kernel)(*tuple(_d.values())))

</pallas_src>

<mosaic_0001>
#map = affine_map<(d0, d1) -> (0, 0)>
#map1 = affine_map<(d0, d1) -> (0, 0, 0)>
module attributes {stable_mosaic.version = 14 : i64} {
  func.func @_gather_all(%arg0: i32, %arg1: i32, %arg2: memref<50x16384xi32, #tpu.memory_space<hbm>>, %arg3: memref<1000000x64xf32, #tpu.memory_space<hbm>>, %arg4: memref<50x16384x64xf32, #tpu.memory_space<hbm>>, %arg5: memref<50x512xi32, #tpu.memory_space<vmem>>, %arg6: memref<8x128x64xf32, #tpu.memory_space<vmem>>, %arg7: memref<8x!tpu.dma_semaphore, #tpu.memory_space<semaphore_mem>>, %arg8: memref<8x!tpu.dma_semaphore, #tpu.memory_space<semaphore_mem>>) attributes {dimension_semantics = [#tpu.dimension_semantics<core_parallel>, #tpu.dimension_semantics<subcore_parallel>], iteration_bounds = array<i64: 2, 16>, scalar_prefetch = 0 : i64, scratch_operands = 4 : i64, tpu.core_type = #tpu.core_type<sc_vector_subcore>, window_params = [{transform_indices = #map}, {transform_indices = #map}, {transform_indices = #map1}]} {
    %mul3A = arith.constant 2 : i32
    %mul3A_0 = arith.muli %arg1, %mul3A : i32
    %add3A = arith.addi %mul3A_0, %arg0 : i32
    %mul3A_1 = arith.constant 512 : i32
    %mul3A_2 = arith.muli %add3A, %mul3A_1 : i32
    "tpu.region"() ({
      %run_scoped3A = tpu.sem_alloc : memref<!tpu.dma_semaphore, #tpu.memory_space<semaphore_mem>>
      %dma_start3A = arith.constant 0 : i32
      %dma_start3A_175 = tpu.memref_slice %arg2[%dma_start3A, %mul3A_2] : memref<50x16384xi32, #tpu.memory_space<hbm>> -> memref<50x512xi32, #tpu.memory_space<hbm>>
      %dma_start3A_176 = arith.constant 0 : i32
      %dma_start3A_177 = tpu.memref_slice %arg2[%dma_start3A_176, %mul3A_2] : memref<50x16384xi32, #tpu.memory_space<hbm>> -> memref<50x512xi32, #tpu.memory_space<hbm>>
      tpu.enqueue_dma source(%dma_start3A_177 : memref<50x512xi32, #tpu.memory_space<hbm>>) target(%arg5 : memref<50x512xi32, #tpu.memory_space<vmem>>) target_semaphore(%run_scoped3A : memref<!tpu.dma_semaphore, #tpu.memory_space<semaphore_mem>>)
      %dma_wait3A_178 = arith.constant 0 : i32
      %dma_wait3A_179 = tpu.memref_slice %arg2[%dma_wait3A_178, %mul3A_2] : memref<50x16384xi32, #tpu.memory_space<hbm>> -> memref<50x512xi32, #tpu.memory_space<hbm>>
      %dma_wait3A_180 = arith.constant 0 : i32
      %dma_wait3A_181 = tpu.memref_slice %arg2[%dma_wait3A_180, %mul3A_2] : memref<50x16384xi32, #tpu.memory_space<hbm>> -> memref<50x512xi32, #tpu.memory_space<hbm>>
      tpu.wait_dma2 semaphore(%run_scoped3A : memref<!tpu.dma_semaphore, #tpu.memory_space<semaphore_mem>>) src(%dma_wait3A_181 : memref<50x512xi32, #tpu.memory_space<hbm>>) dst(%arg5 : memref<50x512xi32, #tpu.memory_space<vmem>>)
      tpu.yield
    }) : () -> ()
    %scan3A = arith.constant 0 : i32
    %scan3A_3 = arith.constant 0 : i32
    %scan3A_4 = arith.constant 25 : i32
    %scan3A_5 = arith.addi %scan3A_3, %scan3A_4 : i32
    %scan3A_6 = arith.constant 1 : i32
    scf.for %scan3A_175 = %scan3A_3 to %scan3A_5 step %scan3A_6  : i32 {
      %mul3A_176 = arith.constant 2 : i32
      %mul3A_177 = arith.muli %mul3A_176, %scan3A_175 : i32
      %add3A_178 = arith.constant 0 : i32
      %add3A_179 = arith.addi %mul3A_177, %add3A_178 : i32
      %gt3A = arith.constant 0 : i32
      %gt3A_180 = arith.cmpi sgt, %scan3A_175, %gt3A : i32
      %convert_element_type3A = arith.extui %gt3A_180 : i1 to i32
      %cond3A = arith.constant 0 : i32
      %cond3A_181 = arith.cmpi ne, %convert_element_type3A, %cond3A : i32
      scf.if %cond3A_181 {
        %dma_wait3A_660 = arith.constant 0 : i32
        %dma_wait3A_661 = arith.constant 0 : i32
        %dma_wait3A_662 = arith.constant 0 : i32
        %dma_wait3A_663 = arith.constant 0 : i32
        %dma_wait3A_664 = arith.constant 0 : i32
        %dma_wait3A_665 = tpu.memref_slice %arg6[%dma_wait3A_660, %dma_wait3A_663, %dma_wait3A_664] : memref<8x128x64xf32, #tpu.memory_space<vmem>> -> memref<1x128x64xf32, #tpu.memory_space<vmem>>
        %dma_wait3A_666 = tpu.memref_squeeze %dma_wait3A_665 : memref<1x128x64xf32, #tpu.memory_space<vmem>> -> memref<128x64xf32, #tpu.memory_space<vmem>>
        %dma_wait3A_667 = arith.constant 0 : i32
        %dma_wait3A_668 = arith.constant 0 : i32
        %dma_wait3A_669 = tpu.memref_slice %arg4[%dma_wait3A_661, %dma_wait3A_667, %dma_wait3A_668] : memref<50x16384x64xf32, #tpu.memory_space<hbm>> -> memref<1x128x64xf32, #tpu.memory_space<hbm>>
        %dma_wait3A_670 = tpu.memref_squeeze %dma_wait3A_669 : memref<1x128x64xf32, #tpu.memory_space<hbm>> -> memref<128x64xf32, #tpu.memory_space<hbm>>
        %dma_wait3A_671 = tpu.memref_slice %arg8[%dma_wait3A_662] : memref<8x!tpu.dma_semaphore, #tpu.memory_space<semaphore_mem>> -> memref<1x!tpu.dma_semaphore, #tpu.memory_space<semaphore_mem>>
        %dma_wait3A_672 = tpu.memref_squeeze %dma_wait3A_671 : memref<1x!tpu.dma_semaphore, #tpu.memory_space<semaphore_mem>> -> memref<!tpu.dma_semaphore, #tpu.memory_space<semaphore_mem>>
        %dma_wait3A_673 = arith.constant 0 : i32
        %dma_wait3A_674 = arith.constant 0 : i32
        %dma_wait3A_675 = tpu.memref_slice %arg4[%dma_wait3A_661, %dma_wait3A_673, %dma_wait3A_674] : memref<50x16384x64xf32, #tpu.memory_space<hbm>> -> memref<1x128x64xf32, #tpu.memory_space<hbm>>
        %dma_wait3A_676 = tpu.memref_squeeze %dma_wait3A_675 : memref<1x128x64xf32, #tpu.memory_space<hbm>> -> memref<128x64xf32, #tpu.memory_space<hbm>>
        %dma_wait3A_677 = arith.constant 0 : i32
        %dma_wait3A_678 = arith.constant 0 : i32
        %dma_wait3A_679 = tpu.memref_slice %arg6[%dma_wait3A_660, %dma_wait3A_677, %dma_wait3A_678] : memref<8x128x64xf32, #tpu.memory_space<vmem>> -> memref<1x128x64xf32, #tpu.memory_space<vmem>>
        %dma_wait3A_680 = tpu.memref_squeeze %dma_wait3A_679 : memref<1x128x64xf32, #tpu.memory_space<vmem>> -> memref<128x64xf32, #tpu.memory_space<vmem>>
        tpu.wait_dma2 semaphore(%dma_wait3A_672 : memref<!tpu.dma_semaphore, #tpu.memory_space<semaphore_mem>>) src(%dma_wait3A_680 : memref<128x64xf32, #tpu.memory_space<vmem>>) dst(%dma_wait3A_676 : memref<128x64xf32, #tpu.memory_space<hbm>>)
      } else {
      }
      %dma_start3A = arith.constant 0 : i32
      %dma_start3A_182 = arith.constant 0 : i32
      %dma_start3A_183 = arith.constant 0 : i32
      %dma_start3A_184 = arith.constant 0 : i32
      %dma_start3A_185 = tpu.memref_slice %arg6[%dma_start3A, %dma_start3A_183, %dma_start3A_184] : memref<8x128x64xf32, #tpu.memory_space<vmem>> -> memref<1x128x64xf32, #tpu.memory_space<vmem>>
      %dma_start3A_186 = tpu.memref_squeeze %dma_start3A_185 : memref<1x128x64xf32, #tpu.memory_space<vmem>> -> memref<128x64xf32, #tpu.memory_space<vmem>>
      %dma_start3A_187 = arith.constant 0 : i32
      %dma_start3A_188 = tpu.memref_slice %arg5[%add3A_179, %dma_start3A_187] : memref<50x512xi32, #tpu.memory_space<vmem>> -> memref<1x128xi32, #tpu.memory_space<vmem>>
      %dma_start3A_189 = tpu.memref_squeeze %dma_start3A_188 : memref<1x128xi32, #tpu.memory_space<vmem>> -> memref<128xi32, #tpu.memory_space<vmem>>
      %dma_start3A_190 = arith.constant 0 : i32
      %dma_start3A_191 = arith.constant 0 : i32
      %dma_start3A_192 = tpu.memref_slice %arg3[%dma_start3A_190, %dma_start3A_191] : memref<1000000x64xf32, #tpu.memory_space<hbm>> -> memref<1000000x64xf32, #tpu.memory_space<hbm>>
      %dma_start3A_193 = tpu.memref_slice %arg7[%dma_start3A_182] : memref<8x!tpu.dma_semaphore, #tpu.memory_space<semaphore_mem>> -> memref<1x!tpu.dma_semaphore, #tpu.memory_space<semaphore_mem>>
      %dma_start3A_194 = tpu.memref_squeeze %dma_start3A_193 : memref<1x!tpu.dma_semaphore, #tpu.memory_space<semaphore_mem>> -> memref<!tpu.dma_semaphore, #tpu.memory_space<semaphore_mem>>
      tpu.enqueue_indirect_dma source(%dma_start3A_192 : memref<1000000x64xf32, #tpu.memory_space<hbm>>) target(%dma_start3A_186 : memref<128x64xf32, #tpu.memory_space<vmem>>) offsets(%dma_start3A_189 : memref<128xi32, #tpu.memory_space<vmem>>) semaphore(%dma_start3A_194 : memref<!tpu.dma_semaphore, #tpu.memory_space<semaphore_mem>>)
      %mul3A_195 = arith.constant 2 : i32
      %mul3A_196 = arith.muli %mul3A_195, %scan3A_175 : i32
      %add3A_197 = arith.constant 0 : i32
      %add3A_198 = arith.addi %mul3A_196, %add3A_197 : i32
      %gt3A_199 = arith.constant 0 : i32
      %gt3A_200 = arith.cmpi sgt, %scan3A_175, %gt3A_199 : i32
      %convert_element_type3A_201 = arith.extui %gt3A_200 : i1 to i32
      %cond3A_202 = arith.constant 0 : i32
      %cond3A_203 = arith.cmpi ne, %convert_element_type3A_201, %cond3A_202 : i32
      scf.if %cond3A_203 {
        %dma_wait3A_660 = arith.constant 1 : i32
        %dma_wait3A_661 = arith.constant 0 : i32
        %dma_wait3A_662 = arith.constant 1 : i32
        %dma_wait3A_663 = arith.constant 0 : i32
        %dma_wait3A_664 = arith.constant 0 : i32
        %dma_wait3A_665 = tpu.memref_slice %arg6[%dma_wait3A_660, %dma_wait3A_663, %dma_wait3A_664] : memref<8x128x64xf32, #tpu.memory_space<vmem>> -> memref<1x128x64xf32, #tpu.memory_space<vmem>>
        %dma_wait3A_666 = tpu.memref_squeeze %dma_wait3A_665 : memref<1x128x64xf32, #tpu.memory_space<vmem>> -> memref<128x64xf32, #tpu.memory_space<vmem>>
        %dma_wait3A_667 = arith.constant 0 : i32
        %dma_wait3A_668 = arith.constant 0 : i32
        %dma_wait3A_669 = tpu.memref_slice %arg4[%dma_wait3A_661, %dma_wait3A_667, %dma_wait3A_668] : memref<50x16384x64xf32, #tpu.memory_space<hbm>> -> memref<1x128x64xf32, #tpu.memory_space<hbm>>
        %dma_wait3A_670 = tpu.memref_squeeze %dma_wait3A_669 : memref<1x128x64xf32, #tpu.memory_space<hbm>> -> memref<128x64xf32, #tpu.memory_space<hbm>>
        %dma_wait3A_671 = tpu.memref_slice %arg8[%dma_wait3A_662] : memref<8x!tpu.dma_semaphore, #tpu.memory_space<semaphore_mem>> -> memref<1x!tpu.dma_semaphore, #tpu.memory_space<semaphore_mem>>
        %dma_wait3A_672 = tpu.memref_squeeze %dma_wait3A_671 : memref<1x!tpu.dma_semaphore, #tpu.memory_space<semaphore_mem>> -> memref<!tpu.dma_semaphore, #tpu.memory_space<semaphore_mem>>
        %dma_wait3A_673 = arith.constant 0 : i32
        %dma_wait3A_674 = arith.constant 0 : i32
        %dma_wait3A_675 = tpu.memref_slice %arg4[%dma_wait3A_661, %dma_wait3A_673, %dma_wait3A_674] : memref<50x16384x64xf32, #tpu.memory_space<hbm>> -> memref<1x128x64xf32, #tpu.memory_space<hbm>>
        %dma_wait3A_676 = tpu.memref_squeeze %dma_wait3A_675 : memref<1x128x64xf32, #tpu.memory_space<hbm>> -> memref<128x64xf32, #tpu.memory_space<hbm>>
        %dma_wait3A_677 = arith.constant 0 : i32
        %dma_wait3A_678 = arith.constant 0 : i32
        %dma_wait3A_679 = tpu.memref_slice %arg6[%dma_wait3A_660, %dma_wait3A_677, %dma_wait3A_678] : memref<8x128x64xf32, #tpu.memory_space<vmem>> -> memref<1x128x64xf32, #tpu.memory_space<vmem>>
        %dma_wait3A_680 = tpu.memref_squeeze %dma_wait3A_679 : memref<1x128x64xf32, #tpu.memory_space<vmem>> -> memref<128x64xf32, #tpu.memory_space<vmem>>
        tpu.wait_dma2 semaphore(%dma_wait3A_672 : memref<!tpu.dma_semaphore, #tpu.memory_space<semaphore_mem>>) src(%dma_wait3A_680 : memref<128x64xf32, #tpu.memory_space<vmem>>) dst(%dma_wait3A_676 : memref<128x64xf32, #tpu.memory_space<hbm>>)
      } else {
      }
      %dma_start3A_204 = arith.constant 1 : i32
      %dma_start3A_205 = arith.constant 1 : i32
      %dma_start3A_206 = arith.constant 0 : i32
      %dma_start3A_207 = arith.constant 0 : i32
      %dma_start3A_208 = tpu.memref_slice %arg6[%dma_start3A_204, %dma_start3A_206, %dma_start3A_207] : memref<8x128x64xf32, #tpu.memory_space<vmem>> -> memref<1x128x64xf32, #tpu.memory_space<vmem>>
      %dma_start3A_209 = tpu.memref_squeeze %dma_start3A_208 : memref<1x128x64xf32, #tpu.memory_space<vmem>> -> memref<128x64xf32, #tpu.memory_space<vmem>>
      %dma_start3A_210 = arith.constant 128 : i32
      %dma_start3A_211 = tpu.memref_slice %arg5[%add3A_198, %dma_start3A_210] : memref<50x512xi32, #tpu.memory_space<vmem>> -> memref<1x128xi32, #tpu.memory_space<vmem>>
      %dma_start3A_212 = tpu.memref_squeeze %dma_start3A_211 : memref<1x128xi32, #tpu.memory_space<vmem>> -> memref<128xi32, #tpu.memory_space<vmem>>
      %dma_start3A_213 = arith.constant 0 : i32
      %dma_start3A_214 = arith.constant 0 : i32
      %dma_start3A_215 = tpu.memref_slice %arg3[%dma_start3A_213, %dma_start3A_214] : memref<1000000x64xf32, #tpu.memory_space<hbm>> -> memref<1000000x64xf32, #tpu.memory_space<hbm>>
      %dma_start3A_216 = tpu.memref_slice %arg7[%dma_start3A_205] : memref<8x!tpu.dma_semaphore, #tpu.memory_space<semaphore_mem>> -> memref<1x!tpu.dma_semaphore, #tpu.memory_space<semaphore_mem>>
      %dma_start3A_217 = tpu.memref_squeeze %dma_start3A_216 : memref<1x!tpu.dma_semaphore, #tpu.memory_space<semaphore_mem>> -> memref<!tpu.dma_semaphore, #tpu.memory_space<semaphore_mem>>
      tpu.enqueue_indirect_dma source(%dma_start3A_215 : memref<1000000x64xf32, #tpu.memory_space<hbm>>) target(%dma_start3A_209 : memref<128x64xf32, #tpu.memory_space<vmem>>) offsets(%dma_start3A_212 : memref<128xi32, #tpu.memory_space<vmem>>) semaphore(%dma_start3A_217 : memref<!tpu.dma_semaphore, #tpu.memory_space<semaphore_mem>>)
      %mul3A_218 = arith.constant 2 : i32
      %mul3A_219 = arith.muli %mul3A_218, %scan3A_175 : i32
      %add3A_220 = arith.constant 0 : i32
      %add3A_221 = arith.addi %mul3A_219, %add3A_220 : i32
      %gt3A_222 = arith.constant 0 : i32
      %gt3A_223 = arith.cmpi sgt, %scan3A_175, %gt3A_222 : i32
      %convert_element_type3A_224 = arith.extui %gt3A_223 : i1 to i32
      %cond3A_225 = arith.constant 0 : i32
      %cond3A_226 = arith.cmpi ne, %convert_element_type3A_224, %cond3A_225 : i32
      scf.if %cond3A_226 {
        %dma_wait3A_660 = arith.constant 2 : i32
        %dma_wait3A_661 = arith.constant 0 : i32
        %dma_wait3A_662 = arith.constant 2 : i32
        %dma_wait3A_663 = arith.constant 0 : i32
        %dma_wait3A_664 = arith.constant 0 : i32
        %dma_wait3A_665 = tpu.memref_slice %arg6[%dma_wait3A_660, %dma_wait3A_663, %dma_wait3A_664] : memref<8x128x64xf32, #tpu.memory_space<vmem>> -> memref<1x128x64xf32, #tpu.memory_space<vmem>>
        %dma_wait3A_666 = tpu.memref_squeeze %dma_wait3A_665 : memref<1x128x64xf32, #tpu.memory_space<vmem>> -> memref<128x64xf32, #tpu.memory_space<vmem>>
        %dma_wait3A_667 = arith.constant 0 : i32
        %dma_wait3A_668 = arith.constant 0 : i32
        %dma_wait3A_669 = tpu.memref_slice %arg4[%dma_wait3A_661, %dma_wait3A_667, %dma_wait3A_668] : memref<50x16384x64xf32, #tpu.memory_space<hbm>> -> memref<1x128x64xf32, #tpu.memory_space<hbm>>
        %dma_wait3A_670 = tpu.memref_squeeze %dma_wait3A_669 : memref<1x128x64xf32, #tpu.memory_space<hbm>> -> memref<128x64xf32, #tpu.memory_space<hbm>>
        %dma_wait3A_671 = tpu.memref_slice %arg8[%dma_wait3A_662] : memref<8x!tpu.dma_semaphore, #tpu.memory_space<semaphore_mem>> -> memref<1x!tpu.dma_semaphore, #tpu.memory_space<semaphore_mem>>
        %dma_wait3A_672 = tpu.memref_squeeze %dma_wait3A_671 : memref<1x!tpu.dma_semaphore, #tpu.memory_space<semaphore_mem>> -> memref<!tpu.dma_semaphore, #tpu.memory_space<semaphore_mem>>
        %dma_wait3A_673 = arith.constant 0 : i32
        %dma_wait3A_674 = arith.constant 0 : i32
        %dma_wait3A_675 = tpu.memref_slice %arg4[%dma_wait3A_661, %dma_wait3A_673, %dma_wait3A_674] : memref<50x16384x64xf32, #tpu.memory_space<hbm>> -> memref<1x128x64xf32, #tpu.memory_space<hbm>>
        %dma_wait3A_676 = tpu.memref_squeeze %dma_wait3A_675 : memref<1x128x64xf32, #tpu.memory_space<hbm>> -> memref<128x64xf32, #tpu.memory_space<hbm>>
        %dma_wait3A_677 = arith.constant 0 : i32
        %dma_wait3A_678 = arith.constant 0 : i32
        %dma_wait3A_679 = tpu.memref_slice %arg6[%dma_wait3A_660, %dma_wait3A_677, %dma_wait3A_678] : memref<8x128x64xf32, #tpu.memory_space<vmem>> -> memref<1x128x64xf32, #tpu.memory_space<vmem>>
        %dma_wait3A_680 = tpu.memref_squeeze %dma_wait3A_679 : memref<1x128x64xf32, #tpu.memory_space<vmem>> -> memref<128x64xf32, #tpu.memory_space<vmem>>
        tpu.wait_dma2 semaphore(%dma_wait3A_672 : memref<!tpu.dma_semaphore, #tpu.memory_space<semaphore_mem>>) src(%dma_wait3A_680 : memref<128x64xf32, #tpu.memory_space<vmem>>) dst(%dma_wait3A_676 : memref<128x64xf32, #tpu.memory_space<hbm>>)
      } else {
      }
      %dma_start3A_227 = arith.constant 2 : i32
      %dma_start3A_228 = arith.constant 2 : i32
      %dma_start3A_229 = arith.constant 0 : i32
      %dma_start3A_230 = arith.constant 0 : i32
      %dma_start3A_231 = tpu.memref_slice %arg6[%dma_start3A_227, %dma_start3A_229, %dma_start3A_230] : memref<8x128x64xf32, #tpu.memory_space<vmem>> -> memref<1x128x64xf32, #tpu.memory_space<vmem>>
      %dma_start3A_232 = tpu.memref_squeeze %dma_start3A_231 : memref<1x128x64xf32, #tpu.memory_space<vmem>> -> memref<128x64xf32, #tpu.memory_space<vmem>>
      %dma_start3A_233 = arith.constant 256 : i32
      %dma_start3A_234 = tpu.memref_slice %arg5[%add3A_221, %dma_start3A_233] : memref<50x512xi32, #tpu.memory_space<vmem>> -> memref<1x128xi32, #tpu.memory_space<vmem>>
      %dma_start3A_235 = tpu.memref_squeeze %dma_start3A_234 : memref<1x128xi32, #tpu.memory_space<vmem>> -> memref<128xi32, #tpu.memory_space<vmem>>
      %dma_start3A_236 = arith.constant 0 : i32
      %dma_start3A_237 = arith.constant 0 : i32
      %dma_start3A_238 = tpu.memref_slice %arg3[%dma_start3A_236, %dma_start3A_237] : memref<1000000x64xf32, #tpu.memory_space<hbm>> -> memref<1000000x64xf32, #tpu.memory_space<hbm>>
      %dma_start3A_239 = tpu.memref_slice %arg7[%dma_start3A_228] : memref<8x!tpu.dma_semaphore, #tpu.memory_space<semaphore_mem>> -> memref<1x!tpu.dma_semaphore, #tpu.memory_space<semaphore_mem>>
      %dma_start3A_240 = tpu.memref_squeeze %dma_start3A_239 : memref<1x!tpu.dma_semaphore, #tpu.memory_space<semaphore_mem>> -> memref<!tpu.dma_semaphore, #tpu.memory_space<semaphore_mem>>
      tpu.enqueue_indirect_dma source(%dma_start3A_238 : memref<1000000x64xf32, #tpu.memory_space<hbm>>) target(%dma_start3A_232 : memref<128x64xf32, #tpu.memory_space<vmem>>) offsets(%dma_start3A_235 : memref<128xi32, #tpu.memory_space<vmem>>) semaphore(%dma_start3A_240 : memref<!tpu.dma_semaphore, #tpu.memory_space<semaphore_mem>>)
      %mul3A_241 = arith.constant 2 : i32
      %mul3A_242 = arith.muli %mul3A_241, %scan3A_175 : i32
      %add3A_243 = arith.constant 0 : i32
      %add3A_244 = arith.addi %mul3A_242, %add3A_243 : i32
      %gt3A_245 = arith.constant 0 : i32
      %gt3A_246 = arith.cmpi sgt, %scan3A_175, %gt3A_245 : i32
      %convert_element_type3A_247 = arith.extui %gt3A_246 : i1 to i32
      %cond3A_248 = arith.constant 0 : i32
      %cond3A_249 = arith.cmpi ne, %convert_element_type3A_247, %cond3A_248 : i32
      scf.if %cond3A_249 {
        %dma_wait3A_660 = arith.constant 3 : i32
        %dma_wait3A_661 = arith.constant 0 : i32
        %dma_wait3A_662 = arith.constant 3 : i32
        %dma_wait3A_663 = arith.constant 0 : i32
        %dma_wait3A_664 = arith.constant 0 : i32
        %dma_wait3A_665 = tpu.memref_slice %arg6[%dma_wait3A_660, %dma_wait3A_663, %dma_wait3A_664] : memref<8x128x64xf32, #tpu.memory_space<vmem>> -> memref<1x128x64xf32, #tpu.memory_space<vmem>>
        %dma_wait3A_666 = tpu.memref_squeeze %dma_wait3A_665 : memref<1x128x64xf32, #tpu.memory_space<vmem>> -> memref<128x64xf32, #tpu.memory_space<vmem>>
        %dma_wait3A_667 = arith.constant 0 : i32
        %dma_wait3A_668 = arith.constant 0 : i32
        %dma_wait3A_669 = tpu.memref_slice %arg4[%dma_wait3A_661, %dma_wait3A_667, %dma_wait3A_668] : memref<50x16384x64xf32, #tpu.memory_space<hbm>> -> memref<1x128x64xf32, #tpu.memory_space<hbm>>
        %dma_wait3A_670 = tpu.memref_squeeze %dma_wait3A_669 : memref<1x128x64xf32, #tpu.memory_space<hbm>> -> memref<128x64xf32, #tpu.memory_space<hbm>>
        %dma_wait3A_671 = tpu.memref_slice %arg8[%dma_wait3A_662] : memref<8x!tpu.dma_semaphore, #tpu.memory_space<semaphore_mem>> -> memref<1x!tpu.dma_semaphore, #tpu.memory_space<semaphore_mem>>
        %dma_wait3A_672 = tpu.memref_squeeze %dma_wait3A_671 : memref<1x!tpu.dma_semaphore, #tpu.memory_space<semaphore_mem>> -> memref<!tpu.dma_semaphore, #tpu.memory_space<semaphore_mem>>
        %dma_wait3A_673 = arith.constant 0 : i32
        %dma_wait3A_674 = arith.constant 0 : i32
        %dma_wait3A_675 = tpu.memref_slice %arg4[%dma_wait3A_661, %dma_wait3A_673, %dma_wait3A_674] : memref<50x16384x64xf32, #tpu.memory_space<hbm>> -> memref<1x128x64xf32, #tpu.memory_space<hbm>>
        %dma_wait3A_676 = tpu.memref_squeeze %dma_wait3A_675 : memref<1x128x64xf32, #tpu.memory_space<hbm>> -> memref<128x64xf32, #tpu.memory_space<hbm>>
        %dma_wait3A_677 = arith.constant 0 : i32
        %dma_wait3A_678 = arith.constant 0 : i32
        %dma_wait3A_679 = tpu.memref_slice %arg6[%dma_wait3A_660, %dma_wait3A_677, %dma_wait3A_678] : memref<8x128x64xf32, #tpu.memory_space<vmem>> -> memref<1x128x64xf32, #tpu.memory_space<vmem>>
        %dma_wait3A_680 = tpu.memref_squeeze %dma_wait3A_679 : memref<1x128x64xf32, #tpu.memory_space<vmem>> -> memref<128x64xf32, #tpu.memory_space<vmem>>
        tpu.wait_dma2 semaphore(%dma_wait3A_672 : memref<!tpu.dma_semaphore, #tpu.memory_space<semaphore_mem>>) src(%dma_wait3A_680 : memref<128x64xf32, #tpu.memory_space<vmem>>) dst(%dma_wait3A_676 : memref<128x64xf32, #tpu.memory_space<hbm>>)
      } else {
      }
      %dma_start3A_250 = arith.constant 3 : i32
      %dma_start3A_251 = arith.constant 3 : i32
      %dma_start3A_252 = arith.constant 0 : i32
      %dma_start3A_253 = arith.constant 0 : i32
      %dma_start3A_254 = tpu.memref_slice %arg6[%dma_start3A_250, %dma_start3A_252, %dma_start3A_253] : memref<8x128x64xf32, #tpu.memory_space<vmem>> -> memref<1x128x64xf32, #tpu.memory_space<vmem>>
      %dma_start3A_255 = tpu.memref_squeeze %dma_start3A_254 : memref<1x128x64xf32, #tpu.memory_space<vmem>> -> memref<128x64xf32, #tpu.memory_space<vmem>>
      %dma_start3A_256 = arith.constant 384 : i32
      %dma_start3A_257 = tpu.memref_slice %arg5[%add3A_244, %dma_start3A_256] : memref<50x512xi32, #tpu.memory_space<vmem>> -> memref<1x128xi32, #tpu.memory_space<vmem>>
      %dma_start3A_258 = tpu.memref_squeeze %dma_start3A_257 : memref<1x128xi32, #tpu.memory_space<vmem>> -> memref<128xi32, #tpu.memory_space<vmem>>
      %dma_start3A_259 = arith.constant 0 : i32
      %dma_start3A_260 = arith.constant 0 : i32
      %dma_start3A_261 = tpu.memref_slice %arg3[%dma_start3A_259, %dma_start3A_260] : memref<1000000x64xf32, #tpu.memory_space<hbm>> -> memref<1000000x64xf32, #tpu.memory_space<hbm>>
      %dma_start3A_262 = tpu.memref_slice %arg7[%dma_start3A_251] : memref<8x!tpu.dma_semaphore, #tpu.memory_space<semaphore_mem>> -> memref<1x!tpu.dma_semaphore, #tpu.memory_space<semaphore_mem>>
      %dma_start3A_263 = tpu.memref_squeeze %dma_start3A_262 : memref<1x!tpu.dma_semaphore, #tpu.memory_space<semaphore_mem>> -> memref<!tpu.dma_semaphore, #tpu.memory_space<semaphore_mem>>
      tpu.enqueue_indirect_dma source(%dma_start3A_261 : memref<1000000x64xf32, #tpu.memory_space<hbm>>) target(%dma_start3A_255 : memref<128x64xf32, #tpu.memory_space<vmem>>) offsets(%dma_start3A_258 : memref<128xi32, #tpu.memory_space<vmem>>) semaphore(%dma_start3A_263 : memref<!tpu.dma_semaphore, #tpu.memory_space<semaphore_mem>>)
      %mul3A_264 = arith.constant 2 : i32
      %mul3A_265 = arith.muli %mul3A_264, %scan3A_175 : i32
      %add3A_266 = arith.constant 1 : i32
      %add3A_267 = arith.addi %mul3A_265, %add3A_266 : i32
      %gt3A_268 = arith.constant 0 : i32
      %gt3A_269 = arith.cmpi sgt, %scan3A_175, %gt3A_268 : i32
      %convert_element_type3A_270 = arith.extui %gt3A_269 : i1 to i32
      %cond3A_271 = arith.constant 0 : i32
      %cond3A_272 = arith.cmpi ne, %convert_element_type3A_270, %cond3A_271 : i32
      scf.if %cond3A_272 {
        %dma_wait3A_660 = arith.constant 4 : i32
        %dma_wait3A_661 = arith.constant 0 : i32
        %dma_wait3A_662 = arith.constant 4 : i32
        %dma_wait3A_663 = arith.constant 0 : i32
        %dma_wait3A_664 = arith.constant 0 : i32
        %dma_wait3A_665 = tpu.memref_slice %arg6[%dma_wait3A_660, %dma_wait3A_663, %dma_wait3A_664] : memref<8x128x64xf32, #tpu.memory_space<vmem>> -> memref<1x128x64xf32, #tpu.memory_space<vmem>>
        %dma_wait3A_666 = tpu.memref_squeeze %dma_wait3A_665 : memref<1x128x64xf32, #tpu.memory_space<vmem>> -> memref<128x64xf32, #tpu.memory_space<vmem>>
        %dma_wait3A_667 = arith.constant 0 : i32
        %dma_wait3A_668 = arith.constant 0 : i32
        %dma_wait3A_669 = tpu.memref_slice %arg4[%dma_wait3A_661, %dma_wait3A_667, %dma_wait3A_668] : memref<50x16384x64xf32, #tpu.memory_space<hbm>> -> memref<1x128x64xf32, #tpu.memory_space<hbm>>
        %dma_wait3A_670 = tpu.memref_squeeze %dma_wait3A_669 : memref<1x128x64xf32, #tpu.memory_space<hbm>> -> memref<128x64xf32, #tpu.memory_space<hbm>>
        %dma_wait3A_671 = tpu.memref_slice %arg8[%dma_wait3A_662] : memref<8x!tpu.dma_semaphore, #tpu.memory_space<semaphore_mem>> -> memref<1x!tpu.dma_semaphore, #tpu.memory_space<semaphore_mem>>
        %dma_wait3A_672 = tpu.memref_squeeze %dma_wait3A_671 : memref<1x!tpu.dma_semaphore, #tpu.memory_space<semaphore_mem>> -> memref<!tpu.dma_semaphore, #tpu.memory_space<semaphore_mem>>
        %dma_wait3A_673 = arith.constant 0 : i32
        %dma_wait3A_674 = arith.constant 0 : i32
        %dma_wait3A_675 = tpu.memref_slice %arg4[%dma_wait3A_661, %dma_wait3A_673, %dma_wait3A_674] : memref<50x16384x64xf32, #tpu.memory_space<hbm>> -> memref<1x128x64xf32, #tpu.memory_space<hbm>>
        %dma_wait3A_676 = tpu.memref_squeeze %dma_wait3A_675 : memref<1x128x64xf32, #tpu.memory_space<hbm>> -> memref<128x64xf32, #tpu.memory_space<hbm>>
        %dma_wait3A_677 = arith.constant 0 : i32
        %dma_wait3A_678 = arith.constant 0 : i32
        %dma_wait3A_679 = tpu.memref_slice %arg6[%dma_wait3A_660, %dma_wait3A_677, %dma_wait3A_678] : memref<8x128x64xf32, #tpu.memory_space<vmem>> -> memref<1x128x64xf32, #tpu.memory_space<vmem>>
        %dma_wait3A_680 = tpu.memref_squeeze %dma_wait3A_679 : memref<1x128x64xf32, #tpu.memory_space<vmem>> -> memref<128x64xf32, #tpu.memory_space<vmem>>
        tpu.wait_dma2 semaphore(%dma_wait3A_672 : memref<!tpu.dma_semaphore, #tpu.memory_space<semaphore_mem>>) src(%dma_wait3A_680 : memref<128x64xf32, #tpu.memory_space<vmem>>) dst(%dma_wait3A_676 : memref<128x64xf32, #tpu.memory_space<hbm>>)
      } else {
      }
      %dma_start3A_273 = arith.constant 4 : i32
      %dma_start3A_274 = arith.constant 4 : i32
      %dma_start3A_275 = arith.constant 0 : i32
      %dma_start3A_276 = arith.constant 0 : i32
      %dma_start3A_277 = tpu.memref_slice %arg6[%dma_start3A_273, %dma_start3A_275, %dma_start3A_276] : memref<8x128x64xf32, #tpu.memory_space<vmem>> -> memref<1x128x64xf32, #tpu.memory_space<vmem>>
      %dma_start3A_278 = tpu.memref_squeeze %dma_start3A_277 : memref<1x128x64xf32, #tpu.memory_space<vmem>> -> memref<128x64xf32, #tpu.memory_space<vmem>>
      %dma_start3A_279 = arith.constant 0 : i32
      %dma_start3A_280 = tpu.memref_slice %arg5[%add3A_267, %dma_start3A_279] : memref<50x512xi32, #tpu.memory_space<vmem>> -> memref<1x128xi32, #tpu.memory_space<vmem>>
      %dma_start3A_281 = tpu.memref_squeeze %dma_start3A_280 : memref<1x128xi32, #tpu.memory_space<vmem>> -> memref<128xi32, #tpu.memory_space<vmem>>
      %dma_start3A_282 = arith.constant 0 : i32
      %dma_start3A_283 = arith.constant 0 : i32
      %dma_start3A_284 = tpu.memref_slice %arg3[%dma_start3A_282, %dma_start3A_283] : memref<1000000x64xf32, #tpu.memory_space<hbm>> -> memref<1000000x64xf32, #tpu.memory_space<hbm>>
      %dma_start3A_285 = tpu.memref_slice %arg7[%dma_start3A_274] : memref<8x!tpu.dma_semaphore, #tpu.memory_space<semaphore_mem>> -> memref<1x!tpu.dma_semaphore, #tpu.memory_space<semaphore_mem>>
      %dma_start3A_286 = tpu.memref_squeeze %dma_start3A_285 : memref<1x!tpu.dma_semaphore, #tpu.memory_space<semaphore_mem>> -> memref<!tpu.dma_semaphore, #tpu.memory_space<semaphore_mem>>
      tpu.enqueue_indirect_dma source(%dma_start3A_284 : memref<1000000x64xf32, #tpu.memory_space<hbm>>) target(%dma_start3A_278 : memref<128x64xf32, #tpu.memory_space<vmem>>) offsets(%dma_start3A_281 : memref<128xi32, #tpu.memory_space<vmem>>) semaphore(%dma_start3A_286 : memref<!tpu.dma_semaphore, #tpu.memory_space<semaphore_mem>>)
      %mul3A_287 = arith.constant 2 : i32
      %mul3A_288 = arith.muli %mul3A_287, %scan3A_175 : i32
      %add3A_289 = arith.constant 1 : i32
      %add3A_290 = arith.addi %mul3A_288, %add3A_289 : i32
      %gt3A_291 = arith.constant 0 : i32
      %gt3A_292 = arith.cmpi sgt, %scan3A_175, %gt3A_291 : i32
      %convert_element_type3A_293 = arith.extui %gt3A_292 : i1 to i32
      %cond3A_294 = arith.constant 0 : i32
      %cond3A_295 = arith.cmpi ne, %convert_element_type3A_293, %cond3A_294 : i32
      scf.if %cond3A_295 {
        %dma_wait3A_660 = arith.constant 5 : i32
        %dma_wait3A_661 = arith.constant 0 : i32
        %dma_wait3A_662 = arith.constant 5 : i32
        %dma_wait3A_663 = arith.constant 0 : i32
        %dma_wait3A_664 = arith.constant 0 : i32
        %dma_wait3A_665 = tpu.memref_slice %arg6[%dma_wait3A_660, %dma_wait3A_663, %dma_wait3A_664] : memref<8x128x64xf32, #tpu.memory_space<vmem>> -> memref<1x128x64xf32, #tpu.memory_space<vmem>>
        %dma_wait3A_666 = tpu.memref_squeeze %dma_wait3A_665 : memref<1x128x64xf32, #tpu.memory_space<vmem>> -> memref<128x64xf32, #tpu.memory_space<vmem>>
        %dma_wait3A_667 = arith.constant 0 : i32
        %dma_wait3A_668 = arith.constant 0 : i32
        %dma_wait3A_669 = tpu.memref_slice %arg4[%dma_wait3A_661, %dma_wait3A_667, %dma_wait3A_668] : memref<50x16384x64xf32, #tpu.memory_space<hbm>> -> memref<1x128x64xf32, #tpu.memory_space<hbm>>
        %dma_wait3A_670 = tpu.memref_squeeze %dma_wait3A_669 : memref<1x128x64xf32, #tpu.memory_space<hbm>> -> memref<128x64xf32, #tpu.memory_space<hbm>>
        %dma_wait3A_671 = tpu.memref_slice %arg8[%dma_wait3A_662] : memref<8x!tpu.dma_semaphore, #tpu.memory_space<semaphore_mem>> -> memref<1x!tpu.dma_semaphore, #tpu.memory_space<semaphore_mem>>
        %dma_wait3A_672 = tpu.memref_squeeze %dma_wait3A_671 : memref<1x!tpu.dma_semaphore, #tpu.memory_space<semaphore_mem>> -> memref<!tpu.dma_semaphore, #tpu.memory_space<semaphore_mem>>
        %dma_wait3A_673 = arith.constant 0 : i32
        %dma_wait3A_674 = arith.constant 0 : i32
        %dma_wait3A_675 = tpu.memref_slice %arg4[%dma_wait3A_661, %dma_wait3A_673, %dma_wait3A_674] : memref<50x16384x64xf32, #tpu.memory_space<hbm>> -> memref<1x128x64xf32, #tpu.memory_space<hbm>>
        %dma_wait3A_676 = tpu.memref_squeeze %dma_wait3A_675 : memref<1x128x64xf32, #tpu.memory_space<hbm>> -> memref<128x64xf32, #tpu.memory_space<hbm>>
        %dma_wait3A_677 = arith.constant 0 : i32
        %dma_wait3A_678 = arith.constant 0 : i32
        %dma_wait3A_679 = tpu.memref_slice %arg6[%dma_wait3A_660, %dma_wait3A_677, %dma_wait3A_678] : memref<8x128x64xf32, #tpu.memory_space<vmem>> -> memref<1x128x64xf32, #tpu.memory_space<vmem>>
        %dma_wait3A_680 = tpu.memref_squeeze %dma_wait3A_679 : memref<1x128x64xf32, #tpu.memory_space<vmem>> -> memref<128x64xf32, #tpu.memory_space<vmem>>
        tpu.wait_dma2 semaphore(%dma_wait3A_672 : memref<!tpu.dma_semaphore, #tpu.memory_space<semaphore_mem>>) src(%dma_wait3A_680 : memref<128x64xf32, #tpu.memory_space<vmem>>) dst(%dma_wait3A_676 : memref<128x64xf32, #tpu.memory_space<hbm>>)
      } else {
      }
      %dma_start3A_296 = arith.constant 5 : i32
      %dma_start3A_297 = arith.constant 5 : i32
      %dma_start3A_298 = arith.constant 0 : i32
      %dma_start3A_299 = arith.constant 0 : i32
      %dma_start3A_300 = tpu.memref_slice %arg6[%dma_start3A_296, %dma_start3A_298, %dma_start3A_299] : memref<8x128x64xf32, #tpu.memory_space<vmem>> -> memref<1x128x64xf32, #tpu.memory_space<vmem>>
      %dma_start3A_301 = tpu.memref_squeeze %dma_start3A_300 : memref<1x128x64xf32, #tpu.memory_space<vmem>> -> memref<128x64xf32, #tpu.memory_space<vmem>>
      %dma_start3A_302 = arith.constant 128 : i32
      %dma_start3A_303 = tpu.memref_slice %arg5[%add3A_290, %dma_start3A_302] : memref<50x512xi32, #tpu.memory_space<vmem>> -> memref<1x128xi32, #tpu.memory_space<vmem>>
      %dma_start3A_304 = tpu.memref_squeeze %dma_start3A_303 : memref<1x128xi32, #tpu.memory_space<vmem>> -> memref<128xi32, #tpu.memory_space<vmem>>
      %dma_start3A_305 = arith.constant 0 : i32
      %dma_start3A_306 = arith.constant 0 : i32
      %dma_start3A_307 = tpu.memref_slice %arg3[%dma_start3A_305, %dma_start3A_306] : memref<1000000x64xf32, #tpu.memory_space<hbm>> -> memref<1000000x64xf32, #tpu.memory_space<hbm>>
      %dma_start3A_308 = tpu.memref_slice %arg7[%dma_start3A_297] : memref<8x!tpu.dma_semaphore, #tpu.memory_space<semaphore_mem>> -> memref<1x!tpu.dma_semaphore, #tpu.memory_space<semaphore_mem>>
      %dma_start3A_309 = tpu.memref_squeeze %dma_start3A_308 : memref<1x!tpu.dma_semaphore, #tpu.memory_space<semaphore_mem>> -> memref<!tpu.dma_semaphore, #tpu.memory_space<semaphore_mem>>
      tpu.enqueue_indirect_dma source(%dma_start3A_307 : memref<1000000x64xf32, #tpu.memory_space<hbm>>) target(%dma_start3A_301 : memref<128x64xf32, #tpu.memory_space<vmem>>) offsets(%dma_start3A_304 : memref<128xi32, #tpu.memory_space<vmem>>) semaphore(%dma_start3A_309 : memref<!tpu.dma_semaphore, #tpu.memory_space<semaphore_mem>>)
      %mul3A_310 = arith.constant 2 : i32
      %mul3A_311 = arith.muli %mul3A_310, %scan3A_175 : i32
      %add3A_312 = arith.constant 1 : i32
      %add3A_313 = arith.addi %mul3A_311, %add3A_312 : i32
      %gt3A_314 = arith.constant 0 : i32
      %gt3A_315 = arith.cmpi sgt, %scan3A_175, %gt3A_314 : i32
      %convert_element_type3A_316 = arith.extui %gt3A_315 : i1 to i32
      %cond3A_317 = arith.constant 0 : i32
      %cond3A_318 = arith.cmpi ne, %convert_element_type3A_316, %cond3A_317 : i32
      scf.if %cond3A_318 {
        %dma_wait3A_660 = arith.constant 6 : i32
        %dma_wait3A_661 = arith.constant 0 : i32
        %dma_wait3A_662 = arith.constant 6 : i32
        %dma_wait3A_663 = arith.constant 0 : i32
        %dma_wait3A_664 = arith.constant 0 : i32
        %dma_wait3A_665 = tpu.memref_slice %arg6[%dma_wait3A_660, %dma_wait3A_663, %dma_wait3A_664] : memref<8x128x64xf32, #tpu.memory_space<vmem>> -> memref<1x128x64xf32, #tpu.memory_space<vmem>>
        %dma_wait3A_666 = tpu.memref_squeeze %dma_wait3A_665 : memref<1x128x64xf32, #tpu.memory_space<vmem>> -> memref<128x64xf32, #tpu.memory_space<vmem>>
        %dma_wait3A_667 = arith.constant 0 : i32
        %dma_wait3A_668 = arith.constant 0 : i32
        %dma_wait3A_669 = tpu.memref_slice %arg4[%dma_wait3A_661, %dma_wait3A_667, %dma_wait3A_668] : memref<50x16384x64xf32, #tpu.memory_space<hbm>> -> memref<1x128x64xf32, #tpu.memory_space<hbm>>
        %dma_wait3A_670 = tpu.memref_squeeze %dma_wait3A_669 : memref<1x128x64xf32, #tpu.memory_space<hbm>> -> memref<128x64xf32, #tpu.memory_space<hbm>>
        %dma_wait3A_671 = tpu.memref_slice %arg8[%dma_wait3A_662] : memref<8x!tpu.dma_semaphore, #tpu.memory_space<semaphore_mem>> -> memref<1x!tpu.dma_semaphore, #tpu.memory_space<semaphore_mem>>
        %dma_wait3A_672 = tpu.memref_squeeze %dma_wait3A_671 : memref<1x!tpu.dma_semaphore, #tpu.memory_space<semaphore_mem>> -> memref<!tpu.dma_semaphore, #tpu.memory_space<semaphore_mem>>
        %dma_wait3A_673 = arith.constant 0 : i32
        %dma_wait3A_674 = arith.constant 0 : i32
        %dma_wait3A_675 = tpu.memref_slice %arg4[%dma_wait3A_661, %dma_wait3A_673, %dma_wait3A_674] : memref<50x16384x64xf32, #tpu.memory_space<hbm>> -> memref<1x128x64xf32, #tpu.memory_space<hbm>>
        %dma_wait3A_676 = tpu.memref_squeeze %dma_wait3A_675 : memref<1x128x64xf32, #tpu.memory_space<hbm>> -> memref<128x64xf32, #tpu.memory_space<hbm>>
        %dma_wait3A_677 = arith.constant 0 : i32
        %dma_wait3A_678 = arith.constant 0 : i32
        %dma_wait3A_679 = tpu.memref_slice %arg6[%dma_wait3A_660, %dma_wait3A_677, %dma_wait3A_678] : memref<8x128x64xf32, #tpu.memory_space<vmem>> -> memref<1x128x64xf32, #tpu.memory_space<vmem>>
        %dma_wait3A_680 = tpu.memref_squeeze %dma_wait3A_679 : memref<1x128x64xf32, #tpu.memory_space<vmem>> -> memref<128x64xf32, #tpu.memory_space<vmem>>
        tpu.wait_dma2 semaphore(%dma_wait3A_672 : memref<!tpu.dma_semaphore, #tpu.memory_space<semaphore_mem>>) src(%dma_wait3A_680 : memref<128x64xf32, #tpu.memory_space<vmem>>) dst(%dma_wait3A_676 : memref<128x64xf32, #tpu.memory_space<hbm>>)
      } else {
      }
      %dma_start3A_319 = arith.constant 6 : i32
      %dma_start3A_320 = arith.constant 6 : i32
      %dma_start3A_321 = arith.constant 0 : i32
      %dma_start3A_322 = arith.constant 0 : i32
      %dma_start3A_323 = tpu.memref_slice %arg6[%dma_start3A_319, %dma_start3A_321, %dma_start3A_322] : memref<8x128x64xf32, #tpu.memory_space<vmem>> -> memref<1x128x64xf32, #tpu.memory_space<vmem>>
      %dma_start3A_324 = tpu.memref_squeeze %dma_start3A_323 : memref<1x128x64xf32, #tpu.memory_space<vmem>> -> memref<128x64xf32, #tpu.memory_space<vmem>>
      %dma_start3A_325 = arith.constant 256 : i32
      %dma_start3A_326 = tpu.memref_slice %arg5[%add3A_313, %dma_start3A_325] : memref<50x512xi32, #tpu.memory_space<vmem>> -> memref<1x128xi32, #tpu.memory_space<vmem>>
      %dma_start3A_327 = tpu.memref_squeeze %dma_start3A_326 : memref<1x128xi32, #tpu.memory_space<vmem>> -> memref<128xi32, #tpu.memory_space<vmem>>
      %dma_start3A_328 = arith.constant 0 : i32
      %dma_start3A_329 = arith.constant 0 : i32
      %dma_start3A_330 = tpu.memref_slice %arg3[%dma_start3A_328, %dma_start3A_329] : memref<1000000x64xf32, #tpu.memory_space<hbm>> -> memref<1000000x64xf32, #tpu.memory_space<hbm>>
      %dma_start3A_331 = tpu.memref_slice %arg7[%dma_start3A_320] : memref<8x!tpu.dma_semaphore, #tpu.memory_space<semaphore_mem>> -> memref<1x!tpu.dma_semaphore, #tpu.memory_space<semaphore_mem>>
      %dma_start3A_332 = tpu.memref_squeeze %dma_start3A_331 : memref<1x!tpu.dma_semaphore, #tpu.memory_space<semaphore_mem>> -> memref<!tpu.dma_semaphore, #tpu.memory_space<semaphore_mem>>
      tpu.enqueue_indirect_dma source(%dma_start3A_330 : memref<1000000x64xf32, #tpu.memory_space<hbm>>) target(%dma_start3A_324 : memref<128x64xf32, #tpu.memory_space<vmem>>) offsets(%dma_start3A_327 : memref<128xi32, #tpu.memory_space<vmem>>) semaphore(%dma_start3A_332 : memref<!tpu.dma_semaphore, #tpu.memory_space<semaphore_mem>>)
      %mul3A_333 = arith.constant 2 : i32
      %mul3A_334 = arith.muli %mul3A_333, %scan3A_175 : i32
      %add3A_335 = arith.constant 1 : i32
      %add3A_336 = arith.addi %mul3A_334, %add3A_335 : i32
      %gt3A_337 = arith.constant 0 : i32
      %gt3A_338 = arith.cmpi sgt, %scan3A_175, %gt3A_337 : i32
      %convert_element_type3A_339 = arith.extui %gt3A_338 : i1 to i32
      %cond3A_340 = arith.constant 0 : i32
      %cond3A_341 = arith.cmpi ne, %convert_element_type3A_339, %cond3A_340 : i32
      scf.if %cond3A_341 {
        %dma_wait3A_660 = arith.constant 7 : i32
        %dma_wait3A_661 = arith.constant 0 : i32
        %dma_wait3A_662 = arith.constant 7 : i32
        %dma_wait3A_663 = arith.constant 0 : i32
        %dma_wait3A_664 = arith.constant 0 : i32
        %dma_wait3A_665 = tpu.memref_slice %arg6[%dma_wait3A_660, %dma_wait3A_663, %dma_wait3A_664] : memref<8x128x64xf32, #tpu.memory_space<vmem>> -> memref<1x128x64xf32, #tpu.memory_space<vmem>>
        %dma_wait3A_666 = tpu.memref_squeeze %dma_wait3A_665 : memref<1x128x64xf32, #tpu.memory_space<vmem>> -> memref<128x64xf32, #tpu.memory_space<vmem>>
        %dma_wait3A_667 = arith.constant 0 : i32
        %dma_wait3A_668 = arith.constant 0 : i32
        %dma_wait3A_669 = tpu.memref_slice %arg4[%dma_wait3A_661, %dma_wait3A_667, %dma_wait3A_668] : memref<50x16384x64xf32, #tpu.memory_space<hbm>> -> memref<1x128x64xf32, #tpu.memory_space<hbm>>
        %dma_wait3A_670 = tpu.memref_squeeze %dma_wait3A_669 : memref<1x128x64xf32, #tpu.memory_space<hbm>> -> memref<128x64xf32, #tpu.memory_space<hbm>>
        %dma_wait3A_671 = tpu.memref_slice %arg8[%dma_wait3A_662] : memref<8x!tpu.dma_semaphore, #tpu.memory_space<semaphore_mem>> -> memref<1x!tpu.dma_semaphore, #tpu.memory_space<semaphore_mem>>
        %dma_wait3A_672 = tpu.memref_squeeze %dma_wait3A_671 : memref<1x!tpu.dma_semaphore, #tpu.memory_space<semaphore_mem>> -> memref<!tpu.dma_semaphore, #tpu.memory_space<semaphore_mem>>
        %dma_wait3A_673 = arith.constant 0 : i32
        %dma_wait3A_674 = arith.constant 0 : i32
        %dma_wait3A_675 = tpu.memref_slice %arg4[%dma_wait3A_661, %dma_wait3A_673, %dma_wait3A_674] : memref<50x16384x64xf32, #tpu.memory_space<hbm>> -> memref<1x128x64xf32, #tpu.memory_space<hbm>>
        %dma_wait3A_676 = tpu.memref_squeeze %dma_wait3A_675 : memref<1x128x64xf32, #tpu.memory_space<hbm>> -> memref<128x64xf32, #tpu.memory_space<hbm>>
        %dma_wait3A_677 = arith.constant 0 : i32
        %dma_wait3A_678 = arith.constant 0 : i32
        %dma_wait3A_679 = tpu.memref_slice %arg6[%dma_wait3A_660, %dma_wait3A_677, %dma_wait3A_678] : memref<8x128x64xf32, #tpu.memory_space<vmem>> -> memref<1x128x64xf32, #tpu.memory_space<vmem>>
        %dma_wait3A_680 = tpu.memref_squeeze %dma_wait3A_679 : memref<1x128x64xf32, #tpu.memory_space<vmem>> -> memref<128x64xf32, #tpu.memory_space<vmem>>
        tpu.wait_dma2 semaphore(%dma_wait3A_672 : memref<!tpu.dma_semaphore, #tpu.memory_space<semaphore_mem>>) src(%dma_wait3A_680 : memref<128x64xf32, #tpu.memory_space<vmem>>) dst(%dma_wait3A_676 : memref<128x64xf32, #tpu.memory_space<hbm>>)
      } else {
      }
      %dma_start3A_342 = arith.constant 7 : i32
      %dma_start3A_343 = arith.constant 7 : i32
      %dma_start3A_344 = arith.constant 0 : i32
      %dma_start3A_345 = arith.constant 0 : i32
      %dma_start3A_346 = tpu.memref_slice %arg6[%dma_start3A_342, %dma_start3A_344, %dma_start3A_345] : memref<8x128x64xf32, #tpu.memory_space<vmem>> -> memref<1x128x64xf32, #tpu.memory_space<vmem>>
      %dma_start3A_347 = tpu.memref_squeeze %dma_start3A_346 : memref<1x128x64xf32, #tpu.memory_space<vmem>> -> memref<128x64xf32, #tpu.memory_space<vmem>>
      %dma_start3A_348 = arith.constant 384 : i32
      %dma_start3A_349 = tpu.memref_slice %arg5[%add3A_336, %dma_start3A_348] : memref<50x512xi32, #tpu.memory_space<vmem>> -> memref<1x128xi32, #tpu.memory_space<vmem>>
      %dma_start3A_350 = tpu.memref_squeeze %dma_start3A_349 : memref<1x128xi32, #tpu.memory_space<vmem>> -> memref<128xi32, #tpu.memory_space<vmem>>
      %dma_start3A_351 = arith.constant 0 : i32
      %dma_start3A_352 = arith.constant 0 : i32
      %dma_start3A_353 = tpu.memref_slice %arg3[%dma_start3A_351, %dma_start3A_352] : memref<1000000x64xf32, #tpu.memory_space<hbm>> -> memref<1000000x64xf32, #tpu.memory_space<hbm>>
      %dma_start3A_354 = tpu.memref_slice %arg7[%dma_start3A_343] : memref<8x!tpu.dma_semaphore, #tpu.memory_space<semaphore_mem>> -> memref<1x!tpu.dma_semaphore, #tpu.memory_space<semaphore_mem>>
      %dma_start3A_355 = tpu.memref_squeeze %dma_start3A_354 : memref<1x!tpu.dma_semaphore, #tpu.memory_space<semaphore_mem>> -> memref<!tpu.dma_semaphore, #tpu.memory_space<semaphore_mem>>
      tpu.enqueue_indirect_dma source(%dma_start3A_353 : memref<1000000x64xf32, #tpu.memory_space<hbm>>) target(%dma_start3A_347 : memref<128x64xf32, #tpu.memory_space<vmem>>) offsets(%dma_start3A_350 : memref<128xi32, #tpu.memory_space<vmem>>) semaphore(%dma_start3A_355 : memref<!tpu.dma_semaphore, #tpu.memory_space<semaphore_mem>>)
      %mul3A_356 = arith.constant 2 : i32
      %mul3A_357 = arith.muli %mul3A_356, %scan3A_175 : i32
      %add3A_358 = arith.constant 0 : i32
      %add3A_359 = arith.addi %mul3A_357, %add3A_358 : i32
      %dma_wait3A_360 = arith.constant 0 : i32
      %dma_wait3A_361 = arith.constant 0 : i32
      %dma_wait3A_362 = arith.constant 0 : i32
      %dma_wait3A_363 = arith.constant 0 : i32
      %dma_wait3A_364 = tpu.memref_slice %arg6[%dma_wait3A_360, %dma_wait3A_362, %dma_wait3A_363] : memref<8x128x64xf32, #tpu.memory_space<vmem>> -> memref<1x128x64xf32, #tpu.memory_space<vmem>>
      %dma_wait3A_365 = tpu.memref_squeeze %dma_wait3A_364 : memref<1x128x64xf32, #tpu.memory_space<vmem>> -> memref<128x64xf32, #tpu.memory_space<vmem>>
      %dma_wait3A_366 = arith.constant 0 : i32
      %dma_wait3A_367 = tpu.memref_slice %arg5[%add3A_359, %dma_wait3A_366] : memref<50x512xi32, #tpu.memory_space<vmem>> -> memref<1x128xi32, #tpu.memory_space<vmem>>
      %dma_wait3A_368 = tpu.memref_squeeze %dma_wait3A_367 : memref<1x128xi32, #tpu.memory_space<vmem>> -> memref<128xi32, #tpu.memory_space<vmem>>
      %dma_wait3A_369 = arith.constant 0 : i32
      %dma_wait3A_370 = arith.constant 0 : i32
      %dma_wait3A_371 = tpu.memref_slice %arg3[%dma_wait3A_369, %dma_wait3A_370] : memref<1000000x64xf32, #tpu.memory_space<hbm>> -> memref<1000000x64xf32, #tpu.memory_space<hbm>>
      %dma_wait3A_372 = tpu.memref_slice %arg7[%dma_wait3A_361] : memref<8x!tpu.dma_semaphore, #tpu.memory_space<semaphore_mem>> -> memref<1x!tpu.dma_semaphore, #tpu.memory_space<semaphore_mem>>
      %dma_wait3A_373 = tpu.memref_squeeze %dma_wait3A_372 : memref<1x!tpu.dma_semaphore, #tpu.memory_space<semaphore_mem>> -> memref<!tpu.dma_semaphore, #tpu.memory_space<semaphore_mem>>
      tpu.wait_indirect_dma semaphore(%dma_wait3A_373 : memref<!tpu.dma_semaphore, #tpu.memory_space<semaphore_mem>>) src(%dma_wait3A_371 : memref<1000000x64xf32, #tpu.memory_space<hbm>>) dst(%dma_wait3A_365 : memref<128x64xf32, #tpu.memory_space<vmem>>)
      %add3A_374 = arith.constant 0 : i32
      %add3A_375 = arith.addi %mul3A_2, %add3A_374 : i32
      %dma_start3A_376 = arith.constant 0 : i32
      %dma_start3A_377 = arith.constant 0 : i32
      %dma_start3A_378 = arith.constant 0 : i32
      %dma_start3A_379 = arith.constant 0 : i32
      %dma_start3A_380 = tpu.memref_slice %arg6[%dma_start3A_376, %dma_start3A_378, %dma_start3A_379] : memref<8x128x64xf32, #tpu.memory_space<vmem>> -> memref<1x128x64xf32, #tpu.memory_space<vmem>>
      %dma_start3A_381 = tpu.memref_squeeze %dma_start3A_380 : memref<1x128x64xf32, #tpu.memory_space<vmem>> -> memref<128x64xf32, #tpu.memory_space<vmem>>
      %dma_start3A_382 = arith.constant 0 : i32
      %dma_start3A_383 = tpu.memref_slice %arg4[%add3A_359, %add3A_375, %dma_start3A_382] : memref<50x16384x64xf32, #tpu.memory_space<hbm>> -> memref<1x128x64xf32, #tpu.memory_space<hbm>>
      %dma_start3A_384 = tpu.memref_squeeze %dma_start3A_383 : memref<1x128x64xf32, #tpu.memory_space<hbm>> -> memref<128x64xf32, #tpu.memory_space<hbm>>
      %dma_start3A_385 = tpu.memref_slice %arg8[%dma_start3A_377] : memref<8x!tpu.dma_semaphore, #tpu.memory_space<semaphore_mem>> -> memref<1x!tpu.dma_semaphore, #tpu.memory_space<semaphore_mem>>
      %dma_start3A_386 = tpu.memref_squeeze %dma_start3A_385 : memref<1x!tpu.dma_semaphore, #tpu.memory_space<semaphore_mem>> -> memref<!tpu.dma_semaphore, #tpu.memory_space<semaphore_mem>>
      %dma_start3A_387 = arith.constant 0 : i32
      %dma_start3A_388 = tpu.memref_slice %arg4[%add3A_359, %add3A_375, %dma_start3A_387] : memref<50x16384x64xf32, #tpu.memory_space<hbm>> -> memref<1x128x64xf32, #tpu.memory_space<hbm>>
      %dma_start3A_389 = tpu.memref_squeeze %dma_start3A_388 : memref<1x128x64xf32, #tpu.memory_space<hbm>> -> memref<128x64xf32, #tpu.memory_space<hbm>>
      %dma_start3A_390 = arith.constant 0 : i32
      %dma_start3A_391 = arith.constant 0 : i32
      %dma_start3A_392 = tpu.memref_slice %arg6[%dma_start3A_376, %dma_start3A_390, %dma_start3A_391] : memref<8x128x64xf32, #tpu.memory_space<vmem>> -> memref<1x128x64xf32, #tpu.memory_space<vmem>>
      %dma_start3A_393 = tpu.memref_squeeze %dma_start3A_392 : memref<1x128x64xf32, #tpu.memory_space<vmem>> -> memref<128x64xf32, #tpu.memory_space<vmem>>
      tpu.enqueue_dma source(%dma_start3A_393 : memref<128x64xf32, #tpu.memory_space<vmem>>) target(%dma_start3A_389 : memref<128x64xf32, #tpu.memory_space<hbm>>) target_semaphore(%dma_start3A_386 : memref<!tpu.dma_semaphore, #tpu.memory_space<semaphore_mem>>)
      %mul3A_394 = arith.constant 2 : i32
      %mul3A_395 = arith.muli %mul3A_394, %scan3A_175 : i32
      %add3A_396 = arith.constant 0 : i32
      %add3A_397 = arith.addi %mul3A_395, %add3A_396 : i32
      %dma_wait3A_398 = arith.constant 1 : i32
      %dma_wait3A_399 = arith.constant 1 : i32
      %dma_wait3A_400 = arith.constant 0 : i32
      %dma_wait3A_401 = arith.constant 0 : i32
      %dma_wait3A_402 = tpu.memref_slice %arg6[%dma_wait3A_398, %dma_wait3A_400, %dma_wait3A_401] : memref<8x128x64xf32, #tpu.memory_space<vmem>> -> memref<1x128x64xf32, #tpu.memory_space<vmem>>
      %dma_wait3A_403 = tpu.memref_squeeze %dma_wait3A_402 : memref<1x128x64xf32, #tpu.memory_space<vmem>> -> memref<128x64xf32, #tpu.memory_space<vmem>>
      %dma_wait3A_404 = arith.constant 128 : i32
      %dma_wait3A_405 = tpu.memref_slice %arg5[%add3A_397, %dma_wait3A_404] : memref<50x512xi32, #tpu.memory_space<vmem>> -> memref<1x128xi32, #tpu.memory_space<vmem>>
      %dma_wait3A_406 = tpu.memref_squeeze %dma_wait3A_405 : memref<1x128xi32, #tpu.memory_space<vmem>> -> memref<128xi32, #tpu.memory_space<vmem>>
      %dma_wait3A_407 = arith.constant 0 : i32
      %dma_wait3A_408 = arith.constant 0 : i32
      %dma_wait3A_409 = tpu.memref_slice %arg3[%dma_wait3A_407, %dma_wait3A_408] : memref<1000000x64xf32, #tpu.memory_space<hbm>> -> memref<1000000x64xf32, #tpu.memory_space<hbm>>
      %dma_wait3A_410 = tpu.memref_slice %arg7[%dma_wait3A_399] : memref<8x!tpu.dma_semaphore, #tpu.memory_space<semaphore_mem>> -> memref<1x!tpu.dma_semaphore, #tpu.memory_space<semaphore_mem>>
      %dma_wait3A_411 = tpu.memref_squeeze %dma_wait3A_410 : memref<1x!tpu.dma_semaphore, #tpu.memory_space<semaphore_mem>> -> memref<!tpu.dma_semaphore, #tpu.memory_space<semaphore_mem>>
      tpu.wait_indirect_dma semaphore(%dma_wait3A_411 : memref<!tpu.dma_semaphore, #tpu.memory_space<semaphore_mem>>) src(%dma_wait3A_409 : memref<1000000x64xf32, #tpu.memory_space<hbm>>) dst(%dma_wait3A_403 : memref<128x64xf32, #tpu.memory_space<vmem>>)
      %add3A_412 = arith.constant 128 : i32
      %add3A_413 = arith.addi %mul3A_2, %add3A_412 : i32
      %dma_start3A_414 = arith.constant 1 : i32
      %dma_start3A_415 = arith.constant 1 : i32
      %dma_start3A_416 = arith.constant 0 : i32
      %dma_start3A_417 = arith.constant 0 : i32
      %dma_start3A_418 = tpu.memref_slice %arg6[%dma_start3A_414, %dma_start3A_416, %dma_start3A_417] : memref<8x128x64xf32, #tpu.memory_space<vmem>> -> memref<1x128x64xf32, #tpu.memory_space<vmem>>
      %dma_start3A_419 = tpu.memref_squeeze %dma_start3A_418 : memref<1x128x64xf32, #tpu.memory_space<vmem>> -> memref<128x64xf32, #tpu.memory_space<vmem>>
      %dma_start3A_420 = arith.constant 0 : i32
      %dma_start3A_421 = tpu.memref_slice %arg4[%add3A_397, %add3A_413, %dma_start3A_420] : memref<50x16384x64xf32, #tpu.memory_space<hbm>> -> memref<1x128x64xf32, #tpu.memory_space<hbm>>
      %dma_start3A_422 = tpu.memref_squeeze %dma_start3A_421 : memref<1x128x64xf32, #tpu.memory_space<hbm>> -> memref<128x64xf32, #tpu.memory_space<hbm>>
      %dma_start3A_423 = tpu.memref_slice %arg8[%dma_start3A_415] : memref<8x!tpu.dma_semaphore, #tpu.memory_space<semaphore_mem>> -> memref<1x!tpu.dma_semaphore, #tpu.memory_space<semaphore_mem>>
      %dma_start3A_424 = tpu.memref_squeeze %dma_start3A_423 : memref<1x!tpu.dma_semaphore, #tpu.memory_space<semaphore_mem>> -> memref<!tpu.dma_semaphore, #tpu.memory_space<semaphore_mem>>
      %dma_start3A_425 = arith.constant 0 : i32
      %dma_start3A_426 = tpu.memref_slice %arg4[%add3A_397, %add3A_413, %dma_start3A_425] : memref<50x16384x64xf32, #tpu.memory_space<hbm>> -> memref<1x128x64xf32, #tpu.memory_space<hbm>>
      %dma_start3A_427 = tpu.memref_squeeze %dma_start3A_426 : memref<1x128x64xf32, #tpu.memory_space<hbm>> -> memref<128x64xf32, #tpu.memory_space<hbm>>
      %dma_start3A_428 = arith.constant 0 : i32
      %dma_start3A_429 = arith.constant 0 : i32
      %dma_start3A_430 = tpu.memref_slice %arg6[%dma_start3A_414, %dma_start3A_428, %dma_start3A_429] : memref<8x128x64xf32, #tpu.memory_space<vmem>> -> memref<1x128x64xf32, #tpu.memory_space<vmem>>
      %dma_start3A_431 = tpu.memref_squeeze %dma_start3A_430 : memref<1x128x64xf32, #tpu.memory_space<vmem>> -> memref<128x64xf32, #tpu.memory_space<vmem>>
      tpu.enqueue_dma source(%dma_start3A_431 : memref<128x64xf32, #tpu.memory_space<vmem>>) target(%dma_start3A_427 : memref<128x64xf32, #tpu.memory_space<hbm>>) target_semaphore(%dma_start3A_424 : memref<!tpu.dma_semaphore, #tpu.memory_space<semaphore_mem>>)
      %mul3A_432 = arith.constant 2 : i32
      %mul3A_433 = arith.muli %mul3A_432, %scan3A_175 : i32
      %add3A_434 = arith.constant 0 : i32
      %add3A_435 = arith.addi %mul3A_433, %add3A_434 : i32
      %dma_wait3A_436 = arith.constant 2 : i32
      %dma_wait3A_437 = arith.constant 2 : i32
      %dma_wait3A_438 = arith.constant 0 : i32
      %dma_wait3A_439 = arith.constant 0 : i32
      %dma_wait3A_440 = tpu.memref_slice %arg6[%dma_wait3A_436, %dma_wait3A_438, %dma_wait3A_439] : memref<8x128x64xf32, #tpu.memory_space<vmem>> -> memref<1x128x64xf32, #tpu.memory_space<vmem>>
      %dma_wait3A_441 = tpu.memref_squeeze %dma_wait3A_440 : memref<1x128x64xf32, #tpu.memory_space<vmem>> -> memref<128x64xf32, #tpu.memory_space<vmem>>
      %dma_wait3A_442 = arith.constant 256 : i32
      %dma_wait3A_443 = tpu.memref_slice %arg5[%add3A_435, %dma_wait3A_442] : memref<50x512xi32, #tpu.memory_space<vmem>> -> memref<1x128xi32, #tpu.memory_space<vmem>>
      %dma_wait3A_444 = tpu.memref_squeeze %dma_wait3A_443 : memref<1x128xi32, #tpu.memory_space<vmem>> -> memref<128xi32, #tpu.memory_space<vmem>>
      %dma_wait3A_445 = arith.constant 0 : i32
      %dma_wait3A_446 = arith.constant 0 : i32
      %dma_wait3A_447 = tpu.memref_slice %arg3[%dma_wait3A_445, %dma_wait3A_446] : memref<1000000x64xf32, #tpu.memory_space<hbm>> -> memref<1000000x64xf32, #tpu.memory_space<hbm>>
      %dma_wait3A_448 = tpu.memref_slice %arg7[%dma_wait3A_437] : memref<8x!tpu.dma_semaphore, #tpu.memory_space<semaphore_mem>> -> memref<1x!tpu.dma_semaphore, #tpu.memory_space<semaphore_mem>>
      %dma_wait3A_449 = tpu.memref_squeeze %dma_wait3A_448 : memref<1x!tpu.dma_semaphore, #tpu.memory_space<semaphore_mem>> -> memref<!tpu.dma_semaphore, #tpu.memory_space<semaphore_mem>>
      tpu.wait_indirect_dma semaphore(%dma_wait3A_449 : memref<!tpu.dma_semaphore, #tpu.memory_space<semaphore_mem>>) src(%dma_wait3A_447 : memref<1000000x64xf32, #tpu.memory_space<hbm>>) dst(%dma_wait3A_441 : memref<128x64xf32, #tpu.memory_space<vmem>>)
      %add3A_450 = arith.constant 256 : i32
      %add3A_451 = arith.addi %mul3A_2, %add3A_450 : i32
      %dma_start3A_452 = arith.constant 2 : i32
      %dma_start3A_453 = arith.constant 2 : i32
      %dma_start3A_454 = arith.constant 0 : i32
      %dma_start3A_455 = arith.constant 0 : i32
      %dma_start3A_456 = tpu.memref_slice %arg6[%dma_start3A_452, %dma_start3A_454, %dma_start3A_455] : memref<8x128x64xf32, #tpu.memory_space<vmem>> -> memref<1x128x64xf32, #tpu.memory_space<vmem>>
      %dma_start3A_457 = tpu.memref_squeeze %dma_start3A_456 : memref<1x128x64xf32, #tpu.memory_space<vmem>> -> memref<128x64xf32, #tpu.memory_space<vmem>>
      %dma_start3A_458 = arith.constant 0 : i32
      %dma_start3A_459 = tpu.memref_slice %arg4[%add3A_435, %add3A_451, %dma_start3A_458] : memref<50x16384x64xf32, #tpu.memory_space<hbm>> -> memref<1x128x64xf32, #tpu.memory_space<hbm>>
      %dma_start3A_460 = tpu.memref_squeeze %dma_start3A_459 : memref<1x128x64xf32, #tpu.memory_space<hbm>> -> memref<128x64xf32, #tpu.memory_space<hbm>>
      %dma_start3A_461 = tpu.memref_slice %arg8[%dma_start3A_453] : memref<8x!tpu.dma_semaphore, #tpu.memory_space<semaphore_mem>> -> memref<1x!tpu.dma_semaphore, #tpu.memory_space<semaphore_mem>>
      %dma_start3A_462 = tpu.memref_squeeze %dma_start3A_461 : memref<1x!tpu.dma_semaphore, #tpu.memory_space<semaphore_mem>> -> memref<!tpu.dma_semaphore, #tpu.memory_space<semaphore_mem>>
      %dma_start3A_463 = arith.constant 0 : i32
      %dma_start3A_464 = tpu.memref_slice %arg4[%add3A_435, %add3A_451, %dma_start3A_463] : memref<50x16384x64xf32, #tpu.memory_space<hbm>> -> memref<1x128x64xf32, #tpu.memory_space<hbm>>
      %dma_start3A_465 = tpu.memref_squeeze %dma_start3A_464 : memref<1x128x64xf32, #tpu.memory_space<hbm>> -> memref<128x64xf32, #tpu.memory_space<hbm>>
      %dma_start3A_466 = arith.constant 0 : i32
      %dma_start3A_467 = arith.constant 0 : i32
      %dma_start3A_468 = tpu.memref_slice %arg6[%dma_start3A_452, %dma_start3A_466, %dma_start3A_467] : memref<8x128x64xf32, #tpu.memory_space<vmem>> -> memref<1x128x64xf32, #tpu.memory_space<vmem>>
      %dma_start3A_469 = tpu.memref_squeeze %dma_start3A_468 : memref<1x128x64xf32, #tpu.memory_space<vmem>> -> memref<128x64xf32, #tpu.memory_space<vmem>>
      tpu.enqueue_dma source(%dma_start3A_469 : memref<128x64xf32, #tpu.memory_space<vmem>>) target(%dma_start3A_465 : memref<128x64xf32, #tpu.memory_space<hbm>>) target_semaphore(%dma_start3A_462 : memref<!tpu.dma_semaphore, #tpu.memory_space<semaphore_mem>>)
      %mul3A_470 = arith.constant 2 : i32
      %mul3A_471 = arith.muli %mul3A_470, %scan3A_175 : i32
      %add3A_472 = arith.constant 0 : i32
      %add3A_473 = arith.addi %mul3A_471, %add3A_472 : i32
      %dma_wait3A_474 = arith.constant 3 : i32
      %dma_wait3A_475 = arith.constant 3 : i32
      %dma_wait3A_476 = arith.constant 0 : i32
      %dma_wait3A_477 = arith.constant 0 : i32
      %dma_wait3A_478 = tpu.memref_slice %arg6[%dma_wait3A_474, %dma_wait3A_476, %dma_wait3A_477] : memref<8x128x64xf32, #tpu.memory_space<vmem>> -> memref<1x128x64xf32, #tpu.memory_space<vmem>>
      %dma_wait3A_479 = tpu.memref_squeeze %dma_wait3A_478 : memref<1x128x64xf32, #tpu.memory_space<vmem>> -> memref<128x64xf32, #tpu.memory_space<vmem>>
      %dma_wait3A_480 = arith.constant 384 : i32
      %dma_wait3A_481 = tpu.memref_slice %arg5[%add3A_473, %dma_wait3A_480] : memref<50x512xi32, #tpu.memory_space<vmem>> -> memref<1x128xi32, #tpu.memory_space<vmem>>
      %dma_wait3A_482 = tpu.memref_squeeze %dma_wait3A_481 : memref<1x128xi32, #tpu.memory_space<vmem>> -> memref<128xi32, #tpu.memory_space<vmem>>
      %dma_wait3A_483 = arith.constant 0 : i32
      %dma_wait3A_484 = arith.constant 0 : i32
      %dma_wait3A_485 = tpu.memref_slice %arg3[%dma_wait3A_483, %dma_wait3A_484] : memref<1000000x64xf32, #tpu.memory_space<hbm>> -> memref<1000000x64xf32, #tpu.memory_space<hbm>>
      %dma_wait3A_486 = tpu.memref_slice %arg7[%dma_wait3A_475] : memref<8x!tpu.dma_semaphore, #tpu.memory_space<semaphore_mem>> -> memref<1x!tpu.dma_semaphore, #tpu.memory_space<semaphore_mem>>
      %dma_wait3A_487 = tpu.memref_squeeze %dma_wait3A_486 : memref<1x!tpu.dma_semaphore, #tpu.memory_space<semaphore_mem>> -> memref<!tpu.dma_semaphore, #tpu.memory_space<semaphore_mem>>
      tpu.wait_indirect_dma semaphore(%dma_wait3A_487 : memref<!tpu.dma_semaphore, #tpu.memory_space<semaphore_mem>>) src(%dma_wait3A_485 : memref<1000000x64xf32, #tpu.memory_space<hbm>>) dst(%dma_wait3A_479 : memref<128x64xf32, #tpu.memory_space<vmem>>)
      %add3A_488 = arith.constant 384 : i32
      %add3A_489 = arith.addi %mul3A_2, %add3A_488 : i32
      %dma_start3A_490 = arith.constant 3 : i32
      %dma_start3A_491 = arith.constant 3 : i32
      %dma_start3A_492 = arith.constant 0 : i32
      %dma_start3A_493 = arith.constant 0 : i32
      %dma_start3A_494 = tpu.memref_slice %arg6[%dma_start3A_490, %dma_start3A_492, %dma_start3A_493] : memref<8x128x64xf32, #tpu.memory_space<vmem>> -> memref<1x128x64xf32, #tpu.memory_space<vmem>>
      %dma_start3A_495 = tpu.memref_squeeze %dma_start3A_494 : memref<1x128x64xf32, #tpu.memory_space<vmem>> -> memref<128x64xf32, #tpu.memory_space<vmem>>
      %dma_start3A_496 = arith.constant 0 : i32
      %dma_start3A_497 = tpu.memref_slice %arg4[%add3A_473, %add3A_489, %dma_start3A_496] : memref<50x16384x64xf32, #tpu.memory_space<hbm>> -> memref<1x128x64xf32, #tpu.memory_space<hbm>>
      %dma_start3A_498 = tpu.memref_squeeze %dma_start3A_497 : memref<1x128x64xf32, #tpu.memory_space<hbm>> -> memref<128x64xf32, #tpu.memory_space<hbm>>
      %dma_start3A_499 = tpu.memref_slice %arg8[%dma_start3A_491] : memref<8x!tpu.dma_semaphore, #tpu.memory_space<semaphore_mem>> -> memref<1x!tpu.dma_semaphore, #tpu.memory_space<semaphore_mem>>
      %dma_start3A_500 = tpu.memref_squeeze %dma_start3A_499 : memref<1x!tpu.dma_semaphore, #tpu.memory_space<semaphore_mem>> -> memref<!tpu.dma_semaphore, #tpu.memory_space<semaphore_mem>>
      %dma_start3A_501 = arith.constant 0 : i32
      %dma_start3A_502 = tpu.memref_slice %arg4[%add3A_473, %add3A_489, %dma_start3A_501] : memref<50x16384x64xf32, #tpu.memory_space<hbm>> -> memref<1x128x64xf32, #tpu.memory_space<hbm>>
      %dma_start3A_503 = tpu.memref_squeeze %dma_start3A_502 : memref<1x128x64xf32, #tpu.memory_space<hbm>> -> memref<128x64xf32, #tpu.memory_space<hbm>>
      %dma_start3A_504 = arith.constant 0 : i32
      %dma_start3A_505 = arith.constant 0 : i32
      %dma_start3A_506 = tpu.memref_slice %arg6[%dma_start3A_490, %dma_start3A_504, %dma_start3A_505] : memref<8x128x64xf32, #tpu.memory_space<vmem>> -> memref<1x128x64xf32, #tpu.memory_space<vmem>>
      %dma_start3A_507 = tpu.memref_squeeze %dma_start3A_506 : memref<1x128x64xf32, #tpu.memory_space<vmem>> -> memref<128x64xf32, #tpu.memory_space<vmem>>
      tpu.enqueue_dma source(%dma_start3A_507 : memref<128x64xf32, #tpu.memory_space<vmem>>) target(%dma_start3A_503 : memref<128x64xf32, #tpu.memory_space<hbm>>) target_semaphore(%dma_start3A_500 : memref<!tpu.dma_semaphore, #tpu.memory_space<semaphore_mem>>)
      %mul3A_508 = arith.constant 2 : i32
      %mul3A_509 = arith.muli %mul3A_508, %scan3A_175 : i32
      %add3A_510 = arith.constant 1 : i32
      %add3A_511 = arith.addi %mul3A_509, %add3A_510 : i32
      %dma_wait3A_512 = arith.constant 4 : i32
      %dma_wait3A_513 = arith.constant 4 : i32
      %dma_wait3A_514 = arith.constant 0 : i32
      %dma_wait3A_515 = arith.constant 0 : i32
      %dma_wait3A_516 = tpu.memref_slice %arg6[%dma_wait3A_512, %dma_wait3A_514, %dma_wait3A_515] : memref<8x128x64xf32, #tpu.memory_space<vmem>> -> memref<1x128x64xf32, #tpu.memory_space<vmem>>
      %dma_wait3A_517 = tpu.memref_squeeze %dma_wait3A_516 : memref<1x128x64xf32, #tpu.memory_space<vmem>> -> memref<128x64xf32, #tpu.memory_space<vmem>>
      %dma_wait3A_518 = arith.constant 0 : i32
      %dma_wait3A_519 = tpu.memref_slice %arg5[%add3A_511, %dma_wait3A_518] : memref<50x512xi32, #tpu.memory_space<vmem>> -> memref<1x128xi32, #tpu.memory_space<vmem>>
      %dma_wait3A_520 = tpu.memref_squeeze %dma_wait3A_519 : memref<1x128xi32, #tpu.memory_space<vmem>> -> memref<128xi32, #tpu.memory_space<vmem>>
      %dma_wait3A_521 = arith.constant 0 : i32
      %dma_wait3A_522 = arith.constant 0 : i32
      %dma_wait3A_523 = tpu.memref_slice %arg3[%dma_wait3A_521, %dma_wait3A_522] : memref<1000000x64xf32, #tpu.memory_space<hbm>> -> memref<1000000x64xf32, #tpu.memory_space<hbm>>
      %dma_wait3A_524 = tpu.memref_slice %arg7[%dma_wait3A_513] : memref<8x!tpu.dma_semaphore, #tpu.memory_space<semaphore_mem>> -> memref<1x!tpu.dma_semaphore, #tpu.memory_space<semaphore_mem>>
      %dma_wait3A_525 = tpu.memref_squeeze %dma_wait3A_524 : memref<1x!tpu.dma_semaphore, #tpu.memory_space<semaphore_mem>> -> memref<!tpu.dma_semaphore, #tpu.memory_space<semaphore_mem>>
      tpu.wait_indirect_dma semaphore(%dma_wait3A_525 : memref<!tpu.dma_semaphore, #tpu.memory_space<semaphore_mem>>) src(%dma_wait3A_523 : memref<1000000x64xf32, #tpu.memory_space<hbm>>) dst(%dma_wait3A_517 : memref<128x64xf32, #tpu.memory_space<vmem>>)
      %add3A_526 = arith.constant 0 : i32
      %add3A_527 = arith.addi %mul3A_2, %add3A_526 : i32
      %dma_start3A_528 = arith.constant 4 : i32
      %dma_start3A_529 = arith.constant 4 : i32
      %dma_start3A_530 = arith.constant 0 : i32
      %dma_start3A_531 = arith.constant 0 : i32
      %dma_start3A_532 = tpu.memref_slice %arg6[%dma_start3A_528, %dma_start3A_530, %dma_start3A_531] : memref<8x128x64xf32, #tpu.memory_space<vmem>> -> memref<1x128x64xf32, #tpu.memory_space<vmem>>
      %dma_start3A_533 = tpu.memref_squeeze %dma_start3A_532 : memref<1x128x64xf32, #tpu.memory_space<vmem>> -> memref<128x64xf32, #tpu.memory_space<vmem>>
      %dma_start3A_534 = arith.constant 0 : i32
      %dma_start3A_535 = tpu.memref_slice %arg4[%add3A_511, %add3A_527, %dma_start3A_534] : memref<50x16384x64xf32, #tpu.memory_space<hbm>> -> memref<1x128x64xf32, #tpu.memory_space<hbm>>
      %dma_start3A_536 = tpu.memref_squeeze %dma_start3A_535 : memref<1x128x64xf32, #tpu.memory_space<hbm>> -> memref<128x64xf32, #tpu.memory_space<hbm>>
      %dma_start3A_537 = tpu.memref_slice %arg8[%dma_start3A_529] : memref<8x!tpu.dma_semaphore, #tpu.memory_space<semaphore_mem>> -> memref<1x!tpu.dma_semaphore, #tpu.memory_space<semaphore_mem>>
      %dma_start3A_538 = tpu.memref_squeeze %dma_start3A_537 : memref<1x!tpu.dma_semaphore, #tpu.memory_space<semaphore_mem>> -> memref<!tpu.dma_semaphore, #tpu.memory_space<semaphore_mem>>
      %dma_start3A_539 = arith.constant 0 : i32
      %dma_start3A_540 = tpu.memref_slice %arg4[%add3A_511, %add3A_527, %dma_start3A_539] : memref<50x16384x64xf32, #tpu.memory_space<hbm>> -> memref<1x128x64xf32, #tpu.memory_space<hbm>>
      %dma_start3A_541 = tpu.memref_squeeze %dma_start3A_540 : memref<1x128x64xf32, #tpu.memory_space<hbm>> -> memref<128x64xf32, #tpu.memory_space<hbm>>
      %dma_start3A_542 = arith.constant 0 : i32
      %dma_start3A_543 = arith.constant 0 : i32
      %dma_start3A_544 = tpu.memref_slice %arg6[%dma_start3A_528, %dma_start3A_542, %dma_start3A_543] : memref<8x128x64xf32, #tpu.memory_space<vmem>> -> memref<1x128x64xf32, #tpu.memory_space<vmem>>
      %dma_start3A_545 = tpu.memref_squeeze %dma_start3A_544 : memref<1x128x64xf32, #tpu.memory_space<vmem>> -> memref<128x64xf32, #tpu.memory_space<vmem>>
      tpu.enqueue_dma source(%dma_start3A_545 : memref<128x64xf32, #tpu.memory_space<vmem>>) target(%dma_start3A_541 : memref<128x64xf32, #tpu.memory_space<hbm>>) target_semaphore(%dma_start3A_538 : memref<!tpu.dma_semaphore, #tpu.memory_space<semaphore_mem>>)
      %mul3A_546 = arith.constant 2 : i32
      %mul3A_547 = arith.muli %mul3A_546, %scan3A_175 : i32
      %add3A_548 = arith.constant 1 : i32
      %add3A_549 = arith.addi %mul3A_547, %add3A_548 : i32
      %dma_wait3A_550 = arith.constant 5 : i32
      %dma_wait3A_551 = arith.constant 5 : i32
      %dma_wait3A_552 = arith.constant 0 : i32
      %dma_wait3A_553 = arith.constant 0 : i32
      %dma_wait3A_554 = tpu.memref_slice %arg6[%dma_wait3A_550, %dma_wait3A_552, %dma_wait3A_553] : memref<8x128x64xf32, #tpu.memory_space<vmem>> -> memref<1x128x64xf32, #tpu.memory_space<vmem>>
      %dma_wait3A_555 = tpu.memref_squeeze %dma_wait3A_554 : memref<1x128x64xf32, #tpu.memory_space<vmem>> -> memref<128x64xf32, #tpu.memory_space<vmem>>
      %dma_wait3A_556 = arith.constant 128 : i32
      %dma_wait3A_557 = tpu.memref_slice %arg5[%add3A_549, %dma_wait3A_556] : memref<50x512xi32, #tpu.memory_space<vmem>> -> memref<1x128xi32, #tpu.memory_space<vmem>>
      %dma_wait3A_558 = tpu.memref_squeeze %dma_wait3A_557 : memref<1x128xi32, #tpu.memory_space<vmem>> -> memref<128xi32, #tpu.memory_space<vmem>>
      %dma_wait3A_559 = arith.constant 0 : i32
      %dma_wait3A_560 = arith.constant 0 : i32
      %dma_wait3A_561 = tpu.memref_slice %arg3[%dma_wait3A_559, %dma_wait3A_560] : memref<1000000x64xf32, #tpu.memory_space<hbm>> -> memref<1000000x64xf32, #tpu.memory_space<hbm>>
      %dma_wait3A_562 = tpu.memref_slice %arg7[%dma_wait3A_551] : memref<8x!tpu.dma_semaphore, #tpu.memory_space<semaphore_mem>> -> memref<1x!tpu.dma_semaphore, #tpu.memory_space<semaphore_mem>>
      %dma_wait3A_563 = tpu.memref_squeeze %dma_wait3A_562 : memref<1x!tpu.dma_semaphore, #tpu.memory_space<semaphore_mem>> -> memref<!tpu.dma_semaphore, #tpu.memory_space<semaphore_mem>>
      tpu.wait_indirect_dma semaphore(%dma_wait3A_563 : memref<!tpu.dma_semaphore, #tpu.memory_space<semaphore_mem>>) src(%dma_wait3A_561 : memref<1000000x64xf32, #tpu.memory_space<hbm>>) dst(%dma_wait3A_555 : memref<128x64xf32, #tpu.memory_space<vmem>>)
      %add3A_564 = arith.constant 128 : i32
      %add3A_565 = arith.addi %mul3A_2, %add3A_564 : i32
      %dma_start3A_566 = arith.constant 5 : i32
      %dma_start3A_567 = arith.constant 5 : i32
      %dma_start3A_568 = arith.constant 0 : i32
      %dma_start3A_569 = arith.constant 0 : i32
      %dma_start3A_570 = tpu.memref_slice %arg6[%dma_start3A_566, %dma_start3A_568, %dma_start3A_569] : memref<8x128x64xf32, #tpu.memory_space<vmem>> -> memref<1x128x64xf32, #tpu.memory_space<vmem>>
      %dma_start3A_571 = tpu.memref_squeeze %dma_start3A_570 : memref<1x128x64xf32, #tpu.memory_space<vmem>> -> memref<128x64xf32, #tpu.memory_space<vmem>>
      %dma_start3A_572 = arith.constant 0 : i32
      %dma_start3A_573 = tpu.memref_slice %arg4[%add3A_549, %add3A_565, %dma_start3A_572] : memref<50x16384x64xf32, #tpu.memory_space<hbm>> -> memref<1x128x64xf32, #tpu.memory_space<hbm>>
      %dma_start3A_574 = tpu.memref_squeeze %dma_start3A_573 : memref<1x128x64xf32, #tpu.memory_space<hbm>> -> memref<128x64xf32, #tpu.memory_space<hbm>>
      %dma_start3A_575 = tpu.memref_slice %arg8[%dma_start3A_567] : memref<8x!tpu.dma_semaphore, #tpu.memory_space<semaphore_mem>> -> memref<1x!tpu.dma_semaphore, #tpu.memory_space<semaphore_mem>>
      %dma_start3A_576 = tpu.memref_squeeze %dma_start3A_575 : memref<1x!tpu.dma_semaphore, #tpu.memory_space<semaphore_mem>> -> memref<!tpu.dma_semaphore, #tpu.memory_space<semaphore_mem>>
      %dma_start3A_577 = arith.constant 0 : i32
      %dma_start3A_578 = tpu.memref_slice %arg4[%add3A_549, %add3A_565, %dma_start3A_577] : memref<50x16384x64xf32, #tpu.memory_space<hbm>> -> memref<1x128x64xf32, #tpu.memory_space<hbm>>
      %dma_start3A_579 = tpu.memref_squeeze %dma_start3A_578 : memref<1x128x64xf32, #tpu.memory_space<hbm>> -> memref<128x64xf32, #tpu.memory_space<hbm>>
      %dma_start3A_580 = arith.constant 0 : i32
      %dma_start3A_581 = arith.constant 0 : i32
      %dma_start3A_582 = tpu.memref_slice %arg6[%dma_start3A_566, %dma_start3A_580, %dma_start3A_581] : memref<8x128x64xf32, #tpu.memory_space<vmem>> -> memref<1x128x64xf32, #tpu.memory_space<vmem>>
      %dma_start3A_583 = tpu.memref_squeeze %dma_start3A_582 : memref<1x128x64xf32, #tpu.memory_space<vmem>> -> memref<128x64xf32, #tpu.memory_space<vmem>>
      tpu.enqueue_dma source(%dma_start3A_583 : memref<128x64xf32, #tpu.memory_space<vmem>>) target(%dma_start3A_579 : memref<128x64xf32, #tpu.memory_space<hbm>>) target_semaphore(%dma_start3A_576 : memref<!tpu.dma_semaphore, #tpu.memory_space<semaphore_mem>>)
      %mul3A_584 = arith.constant 2 : i32
      %mul3A_585 = arith.muli %mul3A_584, %scan3A_175 : i32
      %add3A_586 = arith.constant 1 : i32
      %add3A_587 = arith.addi %mul3A_585, %add3A_586 : i32
      %dma_wait3A_588 = arith.constant 6 : i32
      %dma_wait3A_589 = arith.constant 6 : i32
      %dma_wait3A_590 = arith.constant 0 : i32
      %dma_wait3A_591 = arith.constant 0 : i32
      %dma_wait3A_592 = tpu.memref_slice %arg6[%dma_wait3A_588, %dma_wait3A_590, %dma_wait3A_591] : memref<8x128x64xf32, #tpu.memory_space<vmem>> -> memref<1x128x64xf32, #tpu.memory_space<vmem>>
      %dma_wait3A_593 = tpu.memref_squeeze %dma_wait3A_592 : memref<1x128x64xf32, #tpu.memory_space<vmem>> -> memref<128x64xf32, #tpu.memory_space<vmem>>
      %dma_wait3A_594 = arith.constant 256 : i32
      %dma_wait3A_595 = tpu.memref_slice %arg5[%add3A_587, %dma_wait3A_594] : memref<50x512xi32, #tpu.memory_space<vmem>> -> memref<1x128xi32, #tpu.memory_space<vmem>>
      %dma_wait3A_596 = tpu.memref_squeeze %dma_wait3A_595 : memref<1x128xi32, #tpu.memory_space<vmem>> -> memref<128xi32, #tpu.memory_space<vmem>>
      %dma_wait3A_597 = arith.constant 0 : i32
      %dma_wait3A_598 = arith.constant 0 : i32
      %dma_wait3A_599 = tpu.memref_slice %arg3[%dma_wait3A_597, %dma_wait3A_598] : memref<1000000x64xf32, #tpu.memory_space<hbm>> -> memref<1000000x64xf32, #tpu.memory_space<hbm>>
      %dma_wait3A_600 = tpu.memref_slice %arg7[%dma_wait3A_589] : memref<8x!tpu.dma_semaphore, #tpu.memory_space<semaphore_mem>> -> memref<1x!tpu.dma_semaphore, #tpu.memory_space<semaphore_mem>>
      %dma_wait3A_601 = tpu.memref_squeeze %dma_wait3A_600 : memref<1x!tpu.dma_semaphore, #tpu.memory_space<semaphore_mem>> -> memref<!tpu.dma_semaphore, #tpu.memory_space<semaphore_mem>>
      tpu.wait_indirect_dma semaphore(%dma_wait3A_601 : memref<!tpu.dma_semaphore, #tpu.memory_space<semaphore_mem>>) src(%dma_wait3A_599 : memref<1000000x64xf32, #tpu.memory_space<hbm>>) dst(%dma_wait3A_593 : memref<128x64xf32, #tpu.memory_space<vmem>>)
      %add3A_602 = arith.constant 256 : i32
      %add3A_603 = arith.addi %mul3A_2, %add3A_602 : i32
      %dma_start3A_604 = arith.constant 6 : i32
      %dma_start3A_605 = arith.constant 6 : i32
      %dma_start3A_606 = arith.constant 0 : i32
      %dma_start3A_607 = arith.constant 0 : i32
      %dma_start3A_608 = tpu.memref_slice %arg6[%dma_start3A_604, %dma_start3A_606, %dma_start3A_607] : memref<8x128x64xf32, #tpu.memory_space<vmem>> -> memref<1x128x64xf32, #tpu.memory_space<vmem>>
      %dma_start3A_609 = tpu.memref_squeeze %dma_start3A_608 : memref<1x128x64xf32, #tpu.memory_space<vmem>> -> memref<128x64xf32, #tpu.memory_space<vmem>>
      %dma_start3A_610 = arith.constant 0 : i32
      %dma_start3A_611 = tpu.memref_slice %arg4[%add3A_587, %add3A_603, %dma_start3A_610] : memref<50x16384x64xf32, #tpu.memory_space<hbm>> -> memref<1x128x64xf32, #tpu.memory_space<hbm>>
      %dma_start3A_612 = tpu.memref_squeeze %dma_start3A_611 : memref<1x128x64xf32, #tpu.memory_space<hbm>> -> memref<128x64xf32, #tpu.memory_space<hbm>>
      %dma_start3A_613 = tpu.memref_slice %arg8[%dma_start3A_605] : memref<8x!tpu.dma_semaphore, #tpu.memory_space<semaphore_mem>> -> memref<1x!tpu.dma_semaphore, #tpu.memory_space<semaphore_mem>>
      %dma_start3A_614 = tpu.memref_squeeze %dma_start3A_613 : memref<1x!tpu.dma_semaphore, #tpu.memory_space<semaphore_mem>> -> memref<!tpu.dma_semaphore, #tpu.memory_space<semaphore_mem>>
      %dma_start3A_615 = arith.constant 0 : i32
      %dma_start3A_616 = tpu.memref_slice %arg4[%add3A_587, %add3A_603, %dma_start3A_615] : memref<50x16384x64xf32, #tpu.memory_space<hbm>> -> memref<1x128x64xf32, #tpu.memory_space<hbm>>
      %dma_start3A_617 = tpu.memref_squeeze %dma_start3A_616 : memref<1x128x64xf32, #tpu.memory_space<hbm>> -> memref<128x64xf32, #tpu.memory_space<hbm>>
      %dma_start3A_618 = arith.constant 0 : i32
      %dma_start3A_619 = arith.constant 0 : i32
      %dma_start3A_620 = tpu.memref_slice %arg6[%dma_start3A_604, %dma_start3A_618, %dma_start3A_619] : memref<8x128x64xf32, #tpu.memory_space<vmem>> -> memref<1x128x64xf32, #tpu.memory_space<vmem>>
      %dma_start3A_621 = tpu.memref_squeeze %dma_start3A_620 : memref<1x128x64xf32, #tpu.memory_space<vmem>> -> memref<128x64xf32, #tpu.memory_space<vmem>>
      tpu.enqueue_dma source(%dma_start3A_621 : memref<128x64xf32, #tpu.memory_space<vmem>>) target(%dma_start3A_617 : memref<128x64xf32, #tpu.memory_space<hbm>>) target_semaphore(%dma_start3A_614 : memref<!tpu.dma_semaphore, #tpu.memory_space<semaphore_mem>>)
      %mul3A_622 = arith.constant 2 : i32
      %mul3A_623 = arith.muli %mul3A_622, %scan3A_175 : i32
      %add3A_624 = arith.constant 1 : i32
      %add3A_625 = arith.addi %mul3A_623, %add3A_624 : i32
      %dma_wait3A_626 = arith.constant 7 : i32
      %dma_wait3A_627 = arith.constant 7 : i32
      %dma_wait3A_628 = arith.constant 0 : i32
      %dma_wait3A_629 = arith.constant 0 : i32
      %dma_wait3A_630 = tpu.memref_slice %arg6[%dma_wait3A_626, %dma_wait3A_628, %dma_wait3A_629] : memref<8x128x64xf32, #tpu.memory_space<vmem>> -> memref<1x128x64xf32, #tpu.memory_space<vmem>>
      %dma_wait3A_631 = tpu.memref_squeeze %dma_wait3A_630 : memref<1x128x64xf32, #tpu.memory_space<vmem>> -> memref<128x64xf32, #tpu.memory_space<vmem>>
      %dma_wait3A_632 = arith.constant 384 : i32
      %dma_wait3A_633 = tpu.memref_slice %arg5[%add3A_625, %dma_wait3A_632] : memref<50x512xi32, #tpu.memory_space<vmem>> -> memref<1x128xi32, #tpu.memory_space<vmem>>
      %dma_wait3A_634 = tpu.memref_squeeze %dma_wait3A_633 : memref<1x128xi32, #tpu.memory_space<vmem>> -> memref<128xi32, #tpu.memory_space<vmem>>
      %dma_wait3A_635 = arith.constant 0 : i32
      %dma_wait3A_636 = arith.constant 0 : i32
      %dma_wait3A_637 = tpu.memref_slice %arg3[%dma_wait3A_635, %dma_wait3A_636] : memref<1000000x64xf32, #tpu.memory_space<hbm>> -> memref<1000000x64xf32, #tpu.memory_space<hbm>>
      %dma_wait3A_638 = tpu.memref_slice %arg7[%dma_wait3A_627] : memref<8x!tpu.dma_semaphore, #tpu.memory_space<semaphore_mem>> -> memref<1x!tpu.dma_semaphore, #tpu.memory_space<semaphore_mem>>
      %dma_wait3A_639 = tpu.memref_squeeze %dma_wait3A_638 : memref<1x!tpu.dma_semaphore, #tpu.memory_space<semaphore_mem>> -> memref<!tpu.dma_semaphore, #tpu.memory_space<semaphore_mem>>
      tpu.wait_indirect_dma semaphore(%dma_wait3A_639 : memref<!tpu.dma_semaphore, #tpu.memory_space<semaphore_mem>>) src(%dma_wait3A_637 : memref<1000000x64xf32, #tpu.memory_space<hbm>>) dst(%dma_wait3A_631 : memref<128x64xf32, #tpu.memory_space<vmem>>)
      %add3A_640 = arith.constant 384 : i32
      %add3A_641 = arith.addi %mul3A_2, %add3A_640 : i32
      %dma_start3A_642 = arith.constant 7 : i32
      %dma_start3A_643 = arith.constant 7 : i32
      %dma_start3A_644 = arith.constant 0 : i32
      %dma_start3A_645 = arith.constant 0 : i32
      %dma_start3A_646 = tpu.memref_slice %arg6[%dma_start3A_642, %dma_start3A_644, %dma_start3A_645] : memref<8x128x64xf32, #tpu.memory_space<vmem>> -> memref<1x128x64xf32, #tpu.memory_space<vmem>>
      %dma_start3A_647 = tpu.memref_squeeze %dma_start3A_646 : memref<1x128x64xf32, #tpu.memory_space<vmem>> -> memref<128x64xf32, #tpu.memory_space<vmem>>
      %dma_start3A_648 = arith.constant 0 : i32
      %dma_start3A_649 = tpu.memref_slice %arg4[%add3A_625, %add3A_641, %dma_start3A_648] : memref<50x16384x64xf32, #tpu.memory_space<hbm>> -> memref<1x128x64xf32, #tpu.memory_space<hbm>>
      %dma_start3A_650 = tpu.memref_squeeze %dma_start3A_649 : memref<1x128x64xf32, #tpu.memory_space<hbm>> -> memref<128x64xf32, #tpu.memory_space<hbm>>
      %dma_start3A_651 = tpu.memref_slice %arg8[%dma_start3A_643] : memref<8x!tpu.dma_semaphore, #tpu.memory_space<semaphore_mem>> -> memref<1x!tpu.dma_semaphore, #tpu.memory_space<semaphore_mem>>
      %dma_start3A_652 = tpu.memref_squeeze %dma_start3A_651 : memref<1x!tpu.dma_semaphore, #tpu.memory_space<semaphore_mem>> -> memref<!tpu.dma_semaphore, #tpu.memory_space<semaphore_mem>>
      %dma_start3A_653 = arith.constant 0 : i32
      %dma_start3A_654 = tpu.memref_slice %arg4[%add3A_625, %add3A_641, %dma_start3A_653] : memref<50x16384x64xf32, #tpu.memory_space<hbm>> -> memref<1x128x64xf32, #tpu.memory_space<hbm>>
      %dma_start3A_655 = tpu.memref_squeeze %dma_start3A_654 : memref<1x128x64xf32, #tpu.memory_space<hbm>> -> memref<128x64xf32, #tpu.memory_space<hbm>>
      %dma_start3A_656 = arith.constant 0 : i32
      %dma_start3A_657 = arith.constant 0 : i32
      %dma_start3A_658 = tpu.memref_slice %arg6[%dma_start3A_642, %dma_start3A_656, %dma_start3A_657] : memref<8x128x64xf32, #tpu.memory_space<vmem>> -> memref<1x128x64xf32, #tpu.memory_space<vmem>>
      %dma_start3A_659 = tpu.memref_squeeze %dma_start3A_658 : memref<1x128x64xf32, #tpu.memory_space<vmem>> -> memref<128x64xf32, #tpu.memory_space<vmem>>
      tpu.enqueue_dma source(%dma_start3A_659 : memref<128x64xf32, #tpu.memory_space<vmem>>) target(%dma_start3A_655 : memref<128x64xf32, #tpu.memory_space<hbm>>) target_semaphore(%dma_start3A_652 : memref<!tpu.dma_semaphore, #tpu.memory_space<semaphore_mem>>)
    }
    %scan3A_7 = arith.constant 25 : i32
    %dma_wait3A = arith.constant 0 : i32
    %dma_wait3A_8 = arith.constant 0 : i32
    %dma_wait3A_9 = arith.constant 0 : i32
    %dma_wait3A_10 = arith.constant 0 : i32
    %dma_wait3A_11 = arith.constant 0 : i32
    %dma_wait3A_12 = tpu.memref_slice %arg6[%dma_wait3A, %dma_wait3A_10, %dma_wait3A_11] : memref<8x128x64xf32, #tpu.memory_space<vmem>> -> memref<1x128x64xf32, #tpu.memory_space<vmem>>
    %dma_wait3A_13 = tpu.memref_squeeze %dma_wait3A_12 : memref<1x128x64xf32, #tpu.memory_space<vmem>> -> memref<128x64xf32, #tpu.memory_space<vmem>>
    %dma_wait3A_14 = arith.constant 0 : i32
    %dma_wait3A_15 = arith.constant 0 : i32
    %dma_wait3A_16 = tpu.memref_slice %arg4[%dma_wait3A_8, %dma_wait3A_14, %dma_wait3A_15] : memref<50x16384x64xf32, #tpu.memory_space<hbm>> -> memref<1x128x64xf32, #tpu.memory_space<hbm>>
    %dma_wait3A_17 = tpu.memref_squeeze %dma_wait3A_16 : memref<1x128x64xf32, #tpu.memory_space<hbm>> -> memref<128x64xf32, #tpu.memory_space<hbm>>
    %dma_wait3A_18 = tpu.memref_slice %arg8[%dma_wait3A_9] : memref<8x!tpu.dma_semaphore, #tpu.memory_space<semaphore_mem>> -> memref<1x!tpu.dma_semaphore, #tpu.memory_space<semaphore_mem>>
    %dma_wait3A_19 = tpu.memref_squeeze %dma_wait3A_18 : memref<1x!tpu.dma_semaphore, #tpu.memory_space<semaphore_mem>> -> memref<!tpu.dma_semaphore, #tpu.memory_space<semaphore_mem>>
    %dma_wait3A_20 = arith.constant 0 : i32
    %dma_wait3A_21 = arith.constant 0 : i32
    %dma_wait3A_22 = tpu.memref_slice %arg4[%dma_wait3A_8, %dma_wait3A_20, %dma_wait3A_21] : memref<50x16384x64xf32, #tpu.memory_space<hbm>> -> memref<1x128x64xf32, #tpu.memory_space<hbm>>
    %dma_wait3A_23 = tpu.memref_squeeze %dma_wait3A_22 : memref<1x128x64xf32, #tpu.memory_space<hbm>> -> memref<128x64xf32, #tpu.memory_space<hbm>>
    %dma_wait3A_24 = arith.constant 0 : i32
    %dma_wait3A_25 = arith.constant 0 : i32
    %dma_wait3A_26 = tpu.memref_slice %arg6[%dma_wait3A, %dma_wait3A_24, %dma_wait3A_25] : memref<8x128x64xf32, #tpu.memory_space<vmem>> -> memref<1x128x64xf32, #tpu.memory_space<vmem>>
    %dma_wait3A_27 = tpu.memref_squeeze %dma_wait3A_26 : memref<1x128x64xf32, #tpu.memory_space<vmem>> -> memref<128x64xf32, #tpu.memory_space<vmem>>
    tpu.wait_dma2 semaphore(%dma_wait3A_19 : memref<!tpu.dma_semaphore, #tpu.memory_space<semaphore_mem>>) src(%dma_wait3A_27 : memref<128x64xf32, #tpu.memory_space<vmem>>) dst(%dma_wait3A_23 : memref<128x64xf32, #tpu.memory_space<hbm>>)
    %dma_wait3A_28 = arith.constant 1 : i32
    %dma_wait3A_29 = arith.constant 0 : i32
    %dma_wait3A_30 = arith.constant 1 : i32
    %dma_wait3A_31 = arith.constant 0 : i32
    %dma_wait3A_32 = arith.constant 0 : i32
    %dma_wait3A_33 = tpu.memref_slice %arg6[%dma_wait3A_28, %dma_wait3A_31, %dma_wait3A_32] : memref<8x128x64xf32, #tpu.memory_space<vmem>> -> memref<1x128x64xf32, #tpu.memory_space<vmem>>
    %dma_wait3A_34 = tpu.memref_squeeze %dma_wait3A_33 : memref<1x128x64xf32, #tpu.memory_space<vmem>> -> memref<128x64xf32, #tpu.memory_space<vmem>>
    %dma_wait3A_35 = arith.constant 0 : i32
    %dma_wait3A_36 = arith.constant 0 : i32
    %dma_wait3A_37 = tpu.memref_slice %arg4[%dma_wait3A_29, %dma_wait3A_35, %dma_wait3A_36] : memref<50x16384x64xf32, #tpu.memory_space<hbm>> -> memref<1x128x64xf32, #tpu.memory_space<hbm>>
    %dma_wait3A_38 = tpu.memref_squeeze %dma_wait3A_37 : memref<1x128x64xf32, #tpu.memory_space<hbm>> -> memref<128x64xf32, #tpu.memory_space<hbm>>
    %dma_wait3A_39 = tpu.memref_slice %arg8[%dma_wait3A_30] : memref<8x!tpu.dma_semaphore, #tpu.memory_space<semaphore_mem>> -> memref<1x!tpu.dma_semaphore, #tpu.memory_space<semaphore_mem>>
    %dma_wait3A_40 = tpu.memref_squeeze %dma_wait3A_39 : memref<1x!tpu.dma_semaphore, #tpu.memory_space<semaphore_mem>> -> memref<!tpu.dma_semaphore, #tpu.memory_space<semaphore_mem>>
    %dma_wait3A_41 = arith.constant 0 : i32
    %dma_wait3A_42 = arith.constant 0 : i32
    %dma_wait3A_43 = tpu.memref_slice %arg4[%dma_wait3A_29, %dma_wait3A_41, %dma_wait3A_42] : memref<50x16384x64xf32, #tpu.memory_space<hbm>> -> memref<1x128x64xf32, #tpu.memory_space<hbm>>
    %dma_wait3A_44 = tpu.memref_squeeze %dma_wait3A_43 : memref<1x128x64xf32, #tpu.memory_space<hbm>> -> memref<128x64xf32, #tpu.memory_space<hbm>>
    %dma_wait3A_45 = arith.constant 0 : i32
    %dma_wait3A_46 = arith.constant 0 : i32
    %dma_wait3A_47 = tpu.memref_slice %arg6[%dma_wait3A_28, %dma_wait3A_45, %dma_wait3A_46] : memref<8x128x64xf32, #tpu.memory_space<vmem>> -> memref<1x128x64xf32, #tpu.memory_space<vmem>>
    %dma_wait3A_48 = tpu.memref_squeeze %dma_wait3A_47 : memref<1x128x64xf32, #tpu.memory_space<vmem>> -> memref<128x64xf32, #tpu.memory_space<vmem>>
    tpu.wait_dma2 semaphore(%dma_wait3A_40 : memref<!tpu.dma_semaphore, #tpu.memory_space<semaphore_mem>>) src(%dma_wait3A_48 : memref<128x64xf32, #tpu.memory_space<vmem>>) dst(%dma_wait3A_44 : memref<128x64xf32, #tpu.memory_space<hbm>>)
    %dma_wait3A_49 = arith.constant 2 : i32
    %dma_wait3A_50 = arith.constant 0 : i32
    %dma_wait3A_51 = arith.constant 2 : i32
    %dma_wait3A_52 = arith.constant 0 : i32
    %dma_wait3A_53 = arith.constant 0 : i32
    %dma_wait3A_54 = tpu.memref_slice %arg6[%dma_wait3A_49, %dma_wait3A_52, %dma_wait3A_53] : memref<8x128x64xf32, #tpu.memory_space<vmem>> -> memref<1x128x64xf32, #tpu.memory_space<vmem>>
    %dma_wait3A_55 = tpu.memref_squeeze %dma_wait3A_54 : memref<1x128x64xf32, #tpu.memory_space<vmem>> -> memref<128x64xf32, #tpu.memory_space<vmem>>
    %dma_wait3A_56 = arith.constant 0 : i32
    %dma_wait3A_57 = arith.constant 0 : i32
    %dma_wait3A_58 = tpu.memref_slice %arg4[%dma_wait3A_50, %dma_wait3A_56, %dma_wait3A_57] : memref<50x16384x64xf32, #tpu.memory_space<hbm>> -> memref<1x128x64xf32, #tpu.memory_space<hbm>>
    %dma_wait3A_59 = tpu.memref_squeeze %dma_wait3A_58 : memref<1x128x64xf32, #tpu.memory_space<hbm>> -> memref<128x64xf32, #tpu.memory_space<hbm>>
    %dma_wait3A_60 = tpu.memref_slice %arg8[%dma_wait3A_51] : memref<8x!tpu.dma_semaphore, #tpu.memory_space<semaphore_mem>> -> memref<1x!tpu.dma_semaphore, #tpu.memory_space<semaphore_mem>>
    %dma_wait3A_61 = tpu.memref_squeeze %dma_wait3A_60 : memref<1x!tpu.dma_semaphore, #tpu.memory_space<semaphore_mem>> -> memref<!tpu.dma_semaphore, #tpu.memory_space<semaphore_mem>>
    %dma_wait3A_62 = arith.constant 0 : i32
    %dma_wait3A_63 = arith.constant 0 : i32
    %dma_wait3A_64 = tpu.memref_slice %arg4[%dma_wait3A_50, %dma_wait3A_62, %dma_wait3A_63] : memref<50x16384x64xf32, #tpu.memory_space<hbm>> -> memref<1x128x64xf32, #tpu.memory_space<hbm>>
    %dma_wait3A_65 = tpu.memref_squeeze %dma_wait3A_64 : memref<1x128x64xf32, #tpu.memory_space<hbm>> -> memref<128x64xf32, #tpu.memory_space<hbm>>
    %dma_wait3A_66 = arith.constant 0 : i32
    %dma_wait3A_67 = arith.constant 0 : i32
    %dma_wait3A_68 = tpu.memref_slice %arg6[%dma_wait3A_49, %dma_wait3A_66, %dma_wait3A_67] : memref<8x128x64xf32, #tpu.memory_space<vmem>> -> memref<1x128x64xf32, #tpu.memory_space<vmem>>
    %dma_wait3A_69 = tpu.memref_squeeze %dma_wait3A_68 : memref<1x128x64xf32, #tpu.memory_space<vmem>> -> memref<128x64xf32, #tpu.memory_space<vmem>>
    tpu.wait_dma2 semaphore(%dma_wait3A_61 : memref<!tpu.dma_semaphore, #tpu.memory_space<semaphore_mem>>) src(%dma_wait3A_69 : memref<128x64xf32, #tpu.memory_space<vmem>>) dst(%dma_wait3A_65 : memref<128x64xf32, #tpu.memory_space<hbm>>)
    %dma_wait3A_70 = arith.constant 3 : i32
    %dma_wait3A_71 = arith.constant 0 : i32
    %dma_wait3A_72 = arith.constant 3 : i32
    %dma_wait3A_73 = arith.constant 0 : i32
    %dma_wait3A_74 = arith.constant 0 : i32
    %dma_wait3A_75 = tpu.memref_slice %arg6[%dma_wait3A_70, %dma_wait3A_73, %dma_wait3A_74] : memref<8x128x64xf32, #tpu.memory_space<vmem>> -> memref<1x128x64xf32, #tpu.memory_space<vmem>>
    %dma_wait3A_76 = tpu.memref_squeeze %dma_wait3A_75 : memref<1x128x64xf32, #tpu.memory_space<vmem>> -> memref<128x64xf32, #tpu.memory_space<vmem>>
    %dma_wait3A_77 = arith.constant 0 : i32
    %dma_wait3A_78 = arith.constant 0 : i32
    %dma_wait3A_79 = tpu.memref_slice %arg4[%dma_wait3A_71, %dma_wait3A_77, %dma_wait3A_78] : memref<50x16384x64xf32, #tpu.memory_space<hbm>> -> memref<1x128x64xf32, #tpu.memory_space<hbm>>
    %dma_wait3A_80 = tpu.memref_squeeze %dma_wait3A_79 : memref<1x128x64xf32, #tpu.memory_space<hbm>> -> memref<128x64xf32, #tpu.memory_space<hbm>>
    %dma_wait3A_81 = tpu.memref_slice %arg8[%dma_wait3A_72] : memref<8x!tpu.dma_semaphore, #tpu.memory_space<semaphore_mem>> -> memref<1x!tpu.dma_semaphore, #tpu.memory_space<semaphore_mem>>
    %dma_wait3A_82 = tpu.memref_squeeze %dma_wait3A_81 : memref<1x!tpu.dma_semaphore, #tpu.memory_space<semaphore_mem>> -> memref<!tpu.dma_semaphore, #tpu.memory_space<semaphore_mem>>
    %dma_wait3A_83 = arith.constant 0 : i32
    %dma_wait3A_84 = arith.constant 0 : i32
    %dma_wait3A_85 = tpu.memref_slice %arg4[%dma_wait3A_71, %dma_wait3A_83, %dma_wait3A_84] : memref<50x16384x64xf32, #tpu.memory_space<hbm>> -> memref<1x128x64xf32, #tpu.memory_space<hbm>>
    %dma_wait3A_86 = tpu.memref_squeeze %dma_wait3A_85 : memref<1x128x64xf32, #tpu.memory_space<hbm>> -> memref<128x64xf32, #tpu.memory_space<hbm>>
    %dma_wait3A_87 = arith.constant 0 : i32
    %dma_wait3A_88 = arith.constant 0 : i32
    %dma_wait3A_89 = tpu.memref_slice %arg6[%dma_wait3A_70, %dma_wait3A_87, %dma_wait3A_88] : memref<8x128x64xf32, #tpu.memory_space<vmem>> -> memref<1x128x64xf32, #tpu.memory_space<vmem>>
    %dma_wait3A_90 = tpu.memref_squeeze %dma_wait3A_89 : memref<1x128x64xf32, #tpu.memory_space<vmem>> -> memref<128x64xf32, #tpu.memory_space<vmem>>
    tpu.wait_dma2 semaphore(%dma_wait3A_82 : memref<!tpu.dma_semaphore, #tpu.memory_space<semaphore_mem>>) src(%dma_wait3A_90 : memref<128x64xf32, #tpu.memory_space<vmem>>) dst(%dma_wait3A_86 : memref<128x64xf32, #tpu.memory_space<hbm>>)
    %dma_wait3A_91 = arith.constant 4 : i32
    %dma_wait3A_92 = arith.constant 0 : i32
    %dma_wait3A_93 = arith.constant 4 : i32
    %dma_wait3A_94 = arith.constant 0 : i32
    %dma_wait3A_95 = arith.constant 0 : i32
    %dma_wait3A_96 = tpu.memref_slice %arg6[%dma_wait3A_91, %dma_wait3A_94, %dma_wait3A_95] : memref<8x128x64xf32, #tpu.memory_space<vmem>> -> memref<1x128x64xf32, #tpu.memory_space<vmem>>
    %dma_wait3A_97 = tpu.memref_squeeze %dma_wait3A_96 : memref<1x128x64xf32, #tpu.memory_space<vmem>> -> memref<128x64xf32, #tpu.memory_space<vmem>>
    %dma_wait3A_98 = arith.constant 0 : i32
    %dma_wait3A_99 = arith.constant 0 : i32
    %dma_wait3A_100 = tpu.memref_slice %arg4[%dma_wait3A_92, %dma_wait3A_98, %dma_wait3A_99] : memref<50x16384x64xf32, #tpu.memory_space<hbm>> -> memref<1x128x64xf32, #tpu.memory_space<hbm>>
    %dma_wait3A_101 = tpu.memref_squeeze %dma_wait3A_100 : memref<1x128x64xf32, #tpu.memory_space<hbm>> -> memref<128x64xf32, #tpu.memory_space<hbm>>
    %dma_wait3A_102 = tpu.memref_slice %arg8[%dma_wait3A_93] : memref<8x!tpu.dma_semaphore, #tpu.memory_space<semaphore_mem>> -> memref<1x!tpu.dma_semaphore, #tpu.memory_space<semaphore_mem>>
    %dma_wait3A_103 = tpu.memref_squeeze %dma_wait3A_102 : memref<1x!tpu.dma_semaphore, #tpu.memory_space<semaphore_mem>> -> memref<!tpu.dma_semaphore, #tpu.memory_space<semaphore_mem>>
    %dma_wait3A_104 = arith.constant 0 : i32
    %dma_wait3A_105 = arith.constant 0 : i32
    %dma_wait3A_106 = tpu.memref_slice %arg4[%dma_wait3A_92, %dma_wait3A_104, %dma_wait3A_105] : memref<50x16384x64xf32, #tpu.memory_space<hbm>> -> memref<1x128x64xf32, #tpu.memory_space<hbm>>
    %dma_wait3A_107 = tpu.memref_squeeze %dma_wait3A_106 : memref<1x128x64xf32, #tpu.memory_space<hbm>> -> memref<128x64xf32, #tpu.memory_space<hbm>>
    %dma_wait3A_108 = arith.constant 0 : i32
    %dma_wait3A_109 = arith.constant 0 : i32
    %dma_wait3A_110 = tpu.memref_slice %arg6[%dma_wait3A_91, %dma_wait3A_108, %dma_wait3A_109] : memref<8x128x64xf32, #tpu.memory_space<vmem>> -> memref<1x128x64xf32, #tpu.memory_space<vmem>>
    %dma_wait3A_111 = tpu.memref_squeeze %dma_wait3A_110 : memref<1x128x64xf32, #tpu.memory_space<vmem>> -> memref<128x64xf32, #tpu.memory_space<vmem>>
    tpu.wait_dma2 semaphore(%dma_wait3A_103 : memref<!tpu.dma_semaphore, #tpu.memory_space<semaphore_mem>>) src(%dma_wait3A_111 : memref<128x64xf32, #tpu.memory_space<vmem>>) dst(%dma_wait3A_107 : memref<128x64xf32, #tpu.memory_space<hbm>>)
    %dma_wait3A_112 = arith.constant 5 : i32
    %dma_wait3A_113 = arith.constant 0 : i32
    %dma_wait3A_114 = arith.constant 5 : i32
    %dma_wait3A_115 = arith.constant 0 : i32
    %dma_wait3A_116 = arith.constant 0 : i32
    %dma_wait3A_117 = tpu.memref_slice %arg6[%dma_wait3A_112, %dma_wait3A_115, %dma_wait3A_116] : memref<8x128x64xf32, #tpu.memory_space<vmem>> -> memref<1x128x64xf32, #tpu.memory_space<vmem>>
    %dma_wait3A_118 = tpu.memref_squeeze %dma_wait3A_117 : memref<1x128x64xf32, #tpu.memory_space<vmem>> -> memref<128x64xf32, #tpu.memory_space<vmem>>
    %dma_wait3A_119 = arith.constant 0 : i32
    %dma_wait3A_120 = arith.constant 0 : i32
    %dma_wait3A_121 = tpu.memref_slice %arg4[%dma_wait3A_113, %dma_wait3A_119, %dma_wait3A_120] : memref<50x16384x64xf32, #tpu.memory_space<hbm>> -> memref<1x128x64xf32, #tpu.memory_space<hbm>>
    %dma_wait3A_122 = tpu.memref_squeeze %dma_wait3A_121 : memref<1x128x64xf32, #tpu.memory_space<hbm>> -> memref<128x64xf32, #tpu.memory_space<hbm>>
    %dma_wait3A_123 = tpu.memref_slice %arg8[%dma_wait3A_114] : memref<8x!tpu.dma_semaphore, #tpu.memory_space<semaphore_mem>> -> memref<1x!tpu.dma_semaphore, #tpu.memory_space<semaphore_mem>>
    %dma_wait3A_124 = tpu.memref_squeeze %dma_wait3A_123 : memref<1x!tpu.dma_semaphore, #tpu.memory_space<semaphore_mem>> -> memref<!tpu.dma_semaphore, #tpu.memory_space<semaphore_mem>>
    %dma_wait3A_125 = arith.constant 0 : i32
    %dma_wait3A_126 = arith.constant 0 : i32
    %dma_wait3A_127 = tpu.memref_slice %arg4[%dma_wait3A_113, %dma_wait3A_125, %dma_wait3A_126] : memref<50x16384x64xf32, #tpu.memory_space<hbm>> -> memref<1x128x64xf32, #tpu.memory_space<hbm>>
    %dma_wait3A_128 = tpu.memref_squeeze %dma_wait3A_127 : memref<1x128x64xf32, #tpu.memory_space<hbm>> -> memref<128x64xf32, #tpu.memory_space<hbm>>
    %dma_wait3A_129 = arith.constant 0 : i32
    %dma_wait3A_130 = arith.constant 0 : i32
    %dma_wait3A_131 = tpu.memref_slice %arg6[%dma_wait3A_112, %dma_wait3A_129, %dma_wait3A_130] : memref<8x128x64xf32, #tpu.memory_space<vmem>> -> memref<1x128x64xf32, #tpu.memory_space<vmem>>
    %dma_wait3A_132 = tpu.memref_squeeze %dma_wait3A_131 : memref<1x128x64xf32, #tpu.memory_space<vmem>> -> memref<128x64xf32, #tpu.memory_space<vmem>>
    tpu.wait_dma2 semaphore(%dma_wait3A_124 : memref<!tpu.dma_semaphore, #tpu.memory_space<semaphore_mem>>) src(%dma_wait3A_132 : memref<128x64xf32, #tpu.memory_space<vmem>>) dst(%dma_wait3A_128 : memref<128x64xf32, #tpu.memory_space<hbm>>)
    %dma_wait3A_133 = arith.constant 6 : i32
    %dma_wait3A_134 = arith.constant 0 : i32
    %dma_wait3A_135 = arith.constant 6 : i32
    %dma_wait3A_136 = arith.constant 0 : i32
    %dma_wait3A_137 = arith.constant 0 : i32
    %dma_wait3A_138 = tpu.memref_slice %arg6[%dma_wait3A_133, %dma_wait3A_136, %dma_wait3A_137] : memref<8x128x64xf32, #tpu.memory_space<vmem>> -> memref<1x128x64xf32, #tpu.memory_space<vmem>>
    %dma_wait3A_139 = tpu.memref_squeeze %dma_wait3A_138 : memref<1x128x64xf32, #tpu.memory_space<vmem>> -> memref<128x64xf32, #tpu.memory_space<vmem>>
    %dma_wait3A_140 = arith.constant 0 : i32
    %dma_wait3A_141 = arith.constant 0 : i32
    %dma_wait3A_142 = tpu.memref_slice %arg4[%dma_wait3A_134, %dma_wait3A_140, %dma_wait3A_141] : memref<50x16384x64xf32, #tpu.memory_space<hbm>> -> memref<1x128x64xf32, #tpu.memory_space<hbm>>
    %dma_wait3A_143 = tpu.memref_squeeze %dma_wait3A_142 : memref<1x128x64xf32, #tpu.memory_space<hbm>> -> memref<128x64xf32, #tpu.memory_space<hbm>>
    %dma_wait3A_144 = tpu.memref_slice %arg8[%dma_wait3A_135] : memref<8x!tpu.dma_semaphore, #tpu.memory_space<semaphore_mem>> -> memref<1x!tpu.dma_semaphore, #tpu.memory_space<semaphore_mem>>
    %dma_wait3A_145 = tpu.memref_squeeze %dma_wait3A_144 : memref<1x!tpu.dma_semaphore, #tpu.memory_space<semaphore_mem>> -> memref<!tpu.dma_semaphore, #tpu.memory_space<semaphore_mem>>
    %dma_wait3A_146 = arith.constant 0 : i32
    %dma_wait3A_147 = arith.constant 0 : i32
    %dma_wait3A_148 = tpu.memref_slice %arg4[%dma_wait3A_134, %dma_wait3A_146, %dma_wait3A_147] : memref<50x16384x64xf32, #tpu.memory_space<hbm>> -> memref<1x128x64xf32, #tpu.memory_space<hbm>>
    %dma_wait3A_149 = tpu.memref_squeeze %dma_wait3A_148 : memref<1x128x64xf32, #tpu.memory_space<hbm>> -> memref<128x64xf32, #tpu.memory_space<hbm>>
    %dma_wait3A_150 = arith.constant 0 : i32
    %dma_wait3A_151 = arith.constant 0 : i32
    %dma_wait3A_152 = tpu.memref_slice %arg6[%dma_wait3A_133, %dma_wait3A_150, %dma_wait3A_151] : memref<8x128x64xf32, #tpu.memory_space<vmem>> -> memref<1x128x64xf32, #tpu.memory_space<vmem>>
    %dma_wait3A_153 = tpu.memref_squeeze %dma_wait3A_152 : memref<1x128x64xf32, #tpu.memory_space<vmem>> -> memref<128x64xf32, #tpu.memory_space<vmem>>
    tpu.wait_dma2 semaphore(%dma_wait3A_145 : memref<!tpu.dma_semaphore, #tpu.memory_space<semaphore_mem>>) src(%dma_wait3A_153 : memref<128x64xf32, #tpu.memory_space<vmem>>) dst(%dma_wait3A_149 : memref<128x64xf32, #tpu.memory_space<hbm>>)
    %dma_wait3A_154 = arith.constant 7 : i32
    %dma_wait3A_155 = arith.constant 0 : i32
    %dma_wait3A_156 = arith.constant 7 : i32
    %dma_wait3A_157 = arith.constant 0 : i32
    %dma_wait3A_158 = arith.constant 0 : i32
    %dma_wait3A_159 = tpu.memref_slice %arg6[%dma_wait3A_154, %dma_wait3A_157, %dma_wait3A_158] : memref<8x128x64xf32, #tpu.memory_space<vmem>> -> memref<1x128x64xf32, #tpu.memory_space<vmem>>
    %dma_wait3A_160 = tpu.memref_squeeze %dma_wait3A_159 : memref<1x128x64xf32, #tpu.memory_space<vmem>> -> memref<128x64xf32, #tpu.memory_space<vmem>>
    %dma_wait3A_161 = arith.constant 0 : i32
    %dma_wait3A_162 = arith.constant 0 : i32
    %dma_wait3A_163 = tpu.memref_slice %arg4[%dma_wait3A_155, %dma_wait3A_161, %dma_wait3A_162] : memref<50x16384x64xf32, #tpu.memory_space<hbm>> -> memref<1x128x64xf32, #tpu.memory_space<hbm>>
    %dma_wait3A_164 = tpu.memref_squeeze %dma_wait3A_163 : memref<1x128x64xf32, #tpu.memory_space<hbm>> -> memref<128x64xf32, #tpu.memory_space<hbm>>
    %dma_wait3A_165 = tpu.memref_slice %arg8[%dma_wait3A_156] : memref<8x!tpu.dma_semaphore, #tpu.memory_space<semaphore_mem>> -> memref<1x!tpu.dma_semaphore, #tpu.memory_space<semaphore_mem>>
    %dma_wait3A_166 = tpu.memref_squeeze %dma_wait3A_165 : memref<1x!tpu.dma_semaphore, #tpu.memory_space<semaphore_mem>> -> memref<!tpu.dma_semaphore, #tpu.memory_space<semaphore_mem>>
    %dma_wait3A_167 = arith.constant 0 : i32
    %dma_wait3A_168 = arith.constant 0 : i32
    %dma_wait3A_169 = tpu.memref_slice %arg4[%dma_wait3A_155, %dma_wait3A_167, %dma_wait3A_168] : memref<50x16384x64xf32, #tpu.memory_space<hbm>> -> memref<1x128x64xf32, #tpu.memory_space<hbm>>
    %dma_wait3A_170 = tpu.memref_squeeze %dma_wait3A_169 : memref<1x128x64xf32, #tpu.memory_space<hbm>> -> memref<128x64xf32, #tpu.memory_space<hbm>>
    %dma_wait3A_171 = arith.constant 0 : i32
    %dma_wait3A_172 = arith.constant 0 : i32
    %dma_wait3A_173 = tpu.memref_slice %arg6[%dma_wait3A_154, %dma_wait3A_171, %dma_wait3A_172] : memref<8x128x64xf32, #tpu.memory_space<vmem>> -> memref<1x128x64xf32, #tpu.memory_space<vmem>>
    %dma_wait3A_174 = tpu.memref_squeeze %dma_wait3A_173 : memref<1x128x64xf32, #tpu.memory_space<vmem>> -> memref<128x64xf32, #tpu.memory_space<vmem>>
    tpu.wait_dma2 semaphore(%dma_wait3A_166 : memref<!tpu.dma_semaphore, #tpu.memory_space<semaphore_mem>>) src(%dma_wait3A_174 : memref<128x64xf32, #tpu.memory_space<vmem>>) dst(%dma_wait3A_170 : memref<128x64xf32, #tpu.memory_space<hbm>>)
    return
  }
}

</mosaic_0001>

<sc_bundles>
// kernel: kernel.3.cloned.1.call-start
scs
__scs_entry_jumppad:
0x0: {  	(pc) =	sbr.rel $0x88, $3  }
0x1: {  	(tag) =	ssettag $0x0;
	lr =	simm.s32 $0x1  }
0x2: {  	[smem:$0x3F9F] =	sst lr;
	_ =	strace $0xD0000000  }
0x3: {  	_ = 	snop  }
0x4: {  	_ = 	snop  }
0x5: {  	_ = 	snop  }
0x6: {  	_ = 	snop  }
0x7: {  	_ = 	snop  }
__scs_overlays_trampoline_lowered:
0x8: {  	[smem:$0x3FAE] =	sst s0  }
0x9: {  	[smem:$0x3FAF] =	sst s1  }
0xa: {  	[smem:$0x3FB0] =	sst s2  }
0xb: {  	[smem:$0x3FB1] =	sst s3  }
0xc: {  	[smem:$0x3FB2] =	sst s4  }
0xd: {  	[smem:$0x3FB3] =	sst s5  }
0xe: {  	[smem:$0x3FB4] =	sst s6  }
0xf: {  	[smem:$0x3FB5] =	sst s7  }
0x10: {  	[smem:$0x3FB6] =	sst s8  }
0x11: {  	[smem:$0x3FB7] =	sst s9;
	s0 =	simm.s32 @!p0 $0x0  }
0x12: {  	s1 =	sld [smem:$0x3F9D];
	s0 =	simm.s32 @p0 $0x1  }
0x13: {  	[smem:$0x3FB8] =	sst s0;
	s0 =	simm.s32 @!p1 $0x0  }
0x14: {  	s2 =	sld [smem:$0x3F9C];
	s0 =	simm.s32 @p1 $0x1  }
0x15: {  	[smem:$0x3FB9] =	sst s0;
	s0 =	simm.s32 @!p2 $0x0  }
0x16: {  	s3 =	sld [smem:$0x3FDB];
	s0 =	simm.s32 @p2 $0x1  }
0x17: {  	s4 =	simm.s32 $0x1BF5;
	[smem:$0x3FBB] =	sst s0  }
0x18: {  	s0 =	sld [smem:$0x3F9E];
	_ =	swait.ge [sflag:s4], $0x0  }
0x19: {  	s7 =	sld [smem:$0x3F9F]  }
0x1a: {  	s8 =	sadd.s32 $0xFFFFE003, lr  }
0x1b: {  	s9 =	sadd.s32 $0xFFFFFEF7, lr;
	s5 =	simm.s32 $0xFFFFFFFF;
	p2 =	slt.u32 s8, $0xFFFFF086  }
0x1c: {  	p1 =	slt.u32 s9, $0xF7A;
	s5 =	simm.s32 @!p2 $0x0  }
0x1d: {  	s5 =	simm.s32 @p1 $0x1;
	p0 =	seq.s32 s7, s2  }
0x1e: {  	s7 =	smul.u32 @!p0 $0xF7A, s2;
	p2 =	seq.s32 @!p0 s5, $0x0  }
0x1f: {  	s9 =	smul.u32 $0xF7A, s1;
	s8 =	simm.s32 @!p0 $0x1BF5;
	p2 =	por !p2, p0  }
0x20: {  	[sflag:s8] =	ssyncset.s32 @!p0 $0xFFFFF086;
	s6 =	sadd.s32 @!p0 s3, s7;
	s7 =	simm.s32 @!p0 $0x108  }
0x21: {  	s3 =	sadd.s32 s3, s9;
	s6 =	sadd.s32 @!p0 $0x88, s6;
	s7 =	simm.s32 @p2 $0x1082  }
0x22: {  	[simem:s7], [sflag:s8] =	dma.local @!p0 [hbm:s6], $0xF7A  }
0x23: {  	s9 =	sor.u32 $0xD0000000, s2;
	s6 =	simm.s32 $0x108;
	_ =	swait.ge @!p0 [sflag:s8], $0x0  }
0x24: {  	s3 =	sadd.s32 $0x88, s3;
	s6 =	simm.s32 @!p1 $0x1082;
	[sflag:s4] =	ssyncset.s32 $0xFFFFF086  }
0x25: {  	[simem:s6], [sflag:s4] =	dma.local [hbm:s3], $0xF7A  }
0x26: {  	[smem:$0x3F9F] =	sst s1;
	(tag) =	ssettag s2;
	_ =	strace s9  }
0x27: {  	s1 =	sld [smem:$0x3FAF]  }
0x28: {  	s2 =	sld [smem:$0x3FB0]  }
0x29: {  	s4 =	sld [smem:$0x3FB2]  }
0x2a: {  	p0 =	seq.s32 s5, $0x0;
	s5 =	sld [smem:$0x3FB3]  }
0x2b: {  	s6 =	sld [smem:$0x3FB4]  }
0x2c: {  	s7 =	sld [smem:$0x3FB5]  }
0x2d: {  	s3 =	simm.s32 $0x108;
	s8 =	sld [smem:$0x3FB6]  }
0x2e: {  	s3 =	simm.s32 @!p0 $0x1082;
	s9 =	sld [smem:$0x3FB7]  }
0x2f: {  	lr =	sadd.s32 s0, s3;
	s0 =	sld [smem:$0x3FAE]  }
0x30: {  	s3 =	sld [smem:$0x3FB1]  }
0x31: {  	[smem:$0x3FBA] =	sst s10  }
0x32: {  	s10 =	sld [smem:$0x3FB8];
	_ =	sdelay $0x3  }
0x33: {  	p0 =	seq.s32 s10, $0x1;
	s10 =	sld [smem:$0x3FBA];
	_ =	sdelay $0x3  }
0x34: {  	[smem:$0x3FBA] =	sst s10  }
0x35: {  	s10 =	sld [smem:$0x3FB9];
	_ =	sdelay $0x3  }
0x36: {  	p1 =	seq.s32 s10, $0x1;
	s10 =	sld [smem:$0x3FBA];
	_ =	sdelay $0x3  }
0x37: {  	[smem:$0x3FBA] =	sst s10  }
0x38: {  	s10 =	sld [smem:$0x3FBB]  }
0x39: {  	_ = 	snop;
	(pc) =	sbr.ind lr, $3  }
0x3a: {  	_ = 	snop  }
0x3b: {  	_ = 	snop  }
0x3c: {  	p2 =	seq.s32 s10, $0x1;
	s10 =	sld [smem:$0x3FBA]  }
0x3d: {  	_ =	shalt  }
0x3e: {  	_ =	shalt  }
0x3f: {  	_ =	shalt  }
0x40: {  	_ =	shalt  }
0x41: {  	_ =	shalt  }
0x42: {  	_ =	shalt  }
0x43: {  	_ =	shalt  }
0x44: {  	_ =	shalt  }
0x45: {  	_ =	shalt  }
0x46: {  	_ =	shalt  }
0x47: {  	_ =	shalt  }
0x48: {  	_ =	shalt  }
0x49: {  	_ =	shalt  }
0x4a: {  	_ =	shalt  }
0x4b: {  	_ =	shalt  }
0x4c: {  	_ =	shalt  }
0x4d: {  	_ =	shalt  }
0x4e: {  	_ =	shalt  }
0x4f: {  	_ =	shalt  }
0x50: {  	_ =	shalt  }
0x51: {  	_ =	shalt  }
0x52: {  	_ =	shalt  }
0x53: {  	_ =	shalt  }
0x54: {  	_ =	shalt  }
0x55: {  	_ =	shalt  }
0x56: {  	_ =	shalt  }
0x57: {  	_ =	shalt  }
0x58: {  	_ =	shalt  }
0x59: {  	_ =	shalt  }
0x5a: {  	_ =	shalt  }
0x5b: {  	_ =	shalt  }
0x5c: {  	_ =	shalt  }
0x5d: {  	_ =	shalt  }
0x5e: {  	_ =	shalt  }
0x5f: {  	_ =	shalt  }
0x60: {  	_ =	shalt  }
0x61: {  	_ =	shalt  }
0x62: {  	_ =	shalt  }
0x63: {  	_ =	shalt  }
0x64: {  	_ =	shalt  }
0x65: {  	_ =	shalt  }
0x66: {  	_ =	shalt  }
0x67: {  	_ =	shalt  }
0x68: {  	_ =	shalt  }
0x69: {  	_ =	shalt  }
0x6a: {  	_ =	shalt  }
0x6b: {  	_ =	shalt  }
0x6c: {  	_ =	shalt  }
0x6d: {  	_ =	shalt  }
0x6e: {  	_ =	shalt  }
0x6f: {  	_ =	shalt  }
0x70: {  	_ =	shalt  }
0x71: {  	_ =	shalt  }
0x72: {  	_ =	shalt  }
0x73: {  	_ =	shalt  }
0x74: {  	_ =	shalt  }
0x75: {  	_ =	shalt  }
0x76: {  	_ =	shalt  }
0x77: {  	_ =	shalt  }
0x78: {  	_ =	shalt  }
0x79: {  	_ =	shalt  }
0x7a: {  	_ =	shalt  }
0x7b: {  	_ =	shalt  }
0x7c: {  	_ =	shalt  }
0x7d: {  	_ =	shalt  }
0x7e: {  	_ =	shalt  }
0x7f: {  	_ =	shalt  }
0x80: {  	_ =	shalt  }
0x81: {  	_ =	shalt  }
0x82: {  	_ =	shalt  }
0x83: {  	_ =	shalt  }
0x84: {  	_ =	shalt  }
0x85: {  	_ =	shalt  }
0x86: {  	_ =	shalt  }
0x87: {  	_ =	shalt  }
.Lfunc_end0:
.L_simem_size_0:
called_computation.1_lowered:
.L_overlay_start_0:
0x88: {  	s2 =	sld [smem:$0x3FD9]  }
0x89: {  	s3 =	sld [smem:$0x3FFE];
	_ =	sdelay $0x1  }
0x8a: {  	s1 =	srdreg.scid  }
0x8b: {  	s0 =	sand.u32 $0x1, s1  }
0x8c: {  	s17 =	sshll.u32 s0, $0xA;
	s2 =	sadd.s32 s3, s2  }
0x8d: {  	s2 =	sadd.s32 s2, s17  }
0x8e: {  	[smem:$0x3FC6] =	sst s2  }
0x8f: {  	_ = 	snop  }
0x90: {  	s2 =	sld [smem:$0x3FD0];
	(tm) =	ssettm $0x1  }
0x91: {  	s18 =	sld [smem:$0x3FFB];
	_ =	sdelay $0x3  }
0x92: {  	_ =	strace s18  }
0x93: {  	s3 =	sld [smem:$0x3FFC];
	_ =	sdelay $0x3  }
0x94: {  	_ =	strace s3  }
0x95: {  	s3 =	sld [smem:$0x3FFD];
	_ =	sdelay $0x3  }
0x96: {  	_ =	strace s3  }
0x97: {  	_ =	strace $0x8FFFFFFF  }
0x98: {  	s19 =	sld [smem:$0x3FDB];
	_ =	sdelay $0x1  }
0x99: {  	s4 =	simm.s32 $_scs_section_size  }
0x9a: {  	s5 =	simm.s32 $_size__tile_overlayer_lowered;
	s6 =	simm.s32 $_tile_overlayer_lowered  }
0x9b: {  	s22 =	simm.s32 $0x1BFF;
	s21 =	sshll.u32 s6, $0x1;
	s3 =	sadd.s32 s4, s19  }
0x9c: {  	s7 =	simm.s32 $0x0;
	s20 =	sshll.u32 s5, $0x1;
	s5 =	sadd.s32 s21, s3  }
0x9d: {  	[timem:s7], [sflag:s22] =	dma.local [hbm:s5], s20  }
0x9e: {  	_ =	swait.ge [sflag:s22], s20  }
0x9f: {  	s4 =	ssub.s32 $0x0, s20;
	[sflag:s22] =	ssyncset.done $0x0  }
0xa0: {  	[sflag:s22] =	ssyncadd.s32 s4;
	_ =	sdelay $0x1  }
0xa1: {  	s23 =	simm.s32 $0x1B8B  }
0xa2: {  	_ =	swait.ge [sflag:s23], $0x1  }
0xa3: {  	[sflag:s23] =	ssyncset.done $0x0  }
0xa4: {  	s25 =	simm.s32 $0x1B8E;
	s24 =	sld [smem:$0x3FFE];
	[sflag:s23] =	ssyncadd.s32 $0xFFFFFFFF  }
0xa5: {  	s26 =	simm.s32 $execute0_lowered;
	[smem:$0x3FD2] =	sst s25  }
0xa6: {  	s5 =	sshll.u32 s26, $0x1;
	_ =	strace $0x80000046;
	[dreg:$0x1] =	wrdreg $0xFFFFFFFF  }
0xa7: {  	s28 =	simm.s32 $_size_execute0_lowered;
	s3 =	sadd.s32 s3, s5;
	[dreg:$0x0] =	wrdreg $0x0  }
0xa8: {  	s5 =	sshll.u32 s28, $0x1;
	[dreg:$0x2] =	wrdreg s3  }
0xa9: {  	[dreg:$0x3] =	wrdreg s5  }
0xaa: {  	[dreg:$0x4] =	wrdreg $0xC0  }
0xab: {  	_ =	task [dreg:s7], $0x5FFFF  }
0xac: {  	[dreg:$0x1] =	wrdreg $0xFFFFFFFF  }
0xad: {  	[dreg:$0x0] =	wrdreg $0x60  }
0xae: {  	[dreg:$0x2] =	wrdreg s24  }
0xaf: {  	[dreg:$0x3] =	wrdreg s2  }
0xb0: {  	[dreg:$0x4] =	wrdreg $0x9  }
0xb1: {  	_ =	task.clear_ibuf [dreg:s7], $0x5FFFF;
	_ =	strace $0x90000046  }
0xb2: {  	s29 =	simm.s32 $0x9;
	_ =	strace $0x80000048  }
0xb3: {  	_ =	swait.ge [sflag:s29], $0x1  }
0xb4: {  	[sflag:s29] =	ssyncadd.s32 $0xFFFFFFFF  }
0xb5: {  	_ =	strace $0x90000048  }
0xb6: {  	_ =	sfence  }
0xb7: {  	s30 =	sld [smem:$0x0];
	_ =	sdelay $0x2  }
0xb8: {  	s31 =	sshll.u32 s1, $0xD;
	s1 =	sshrl.u32 s1, $0x2  }
0xb9: {  	s3 =	sand.u32 $0x4000, s31;
	s1 =	sadd.s32 s1, s30  }
0xba: {  	s0 =	sor.u32 s3, s0;
	s1 =	sshll.u32 s1, $0x11  }
0xbb: {  	s0 =	sor.u32 s1, s0  }
0xbc: {  	s0 =	sadd.s32 $0x8F2B, s0  }
0xbd: {  	[sflag:s0] =	ssyncadd.remote.s32 $0x1  }
0xbe: {  	_ =	sfence.sel $0xFFFF  }
0xbf: {  	[dreg:$0x0] =	wrdreg $0xFFFFFFFF;
	(pc) =	sbr.abs _section_cstart, $3  }
0xc0: {  	[dreg:$0x1] =	wrdreg $0xFFFFFFFF  }
0xc1: {  	_ =	task.clear_ibuf [dreg:s7], $0x2FFFF;
	_ =	strace $0x9FFFFFFF  }
0xc2: {  	(tm) =	ssettm $0x7FFFFFFF  }
0xc3: {  	_ =	shalt  }
tec
execute0_lowered:
.L_overlay_start_1:
0x0: {  	(tag) =	ssettag $0x1  }
0x1: {  	s0 =	rddreg [dreg:$0x0]  }
0x2: {  	s2 =	rddreg [dreg:$0x1];
	s3 =	simm.s32 $0x0  }
0x3: {  	s1 =	srdreg.scid;
	s23 =	simm.s32 $0x80;
	[smem:$0x7FF] =	sst s3  }
0x4: {  	s24 =	simm.s32 $0x6400;
	_ =	strace $0x80000047;
	[dreg:$0x6] =	wrdreg s23  }
0x5: {  	s10 =	stileid.u32;
	s25 =	simm.s32 $0x8400;
	[dreg:$0x7] =	wrdreg s24  }
0x6: {  	s26 =	simm.s32 $0xA400;
	s28 =	simm.s32 $0xC400;
	[dreg:$0x8] =	wrdreg s25  }
0x7: {  	s29 =	simm.s32 $0xE400;
	s30 =	simm.s32 $0x10400;
	[dreg:$0x9] =	wrdreg s26  }
0x8: {  	s31 =	simm.s32 $0x12400;
	s1 =	sand.u32 $0x1, s1;
	[dreg:$0xa] =	wrdreg s28  }
0x9: {  	s4 =	sshll.u32 s10, $0xA;
	s14 =	sshll.u32 s10, $0x10;
	[dreg:$0xb] =	wrdreg s29  }
0xa: {  	s5 =	sshll.u32 s1, $0x9;
	s6 =	ssub.s32 $0x2, s1;
	[dreg:$0xc] =	wrdreg s30  }
0xb: {  	s1 =	sshll.u32 s1, $0xF;
	[dreg:$0xd] =	wrdreg s31;
	s23 =	simm.s32 $0x8  }
0xc: {  	s4 =	sor.u32 s5, s4;
	s8 =	sshrl.u32 s6, $0x1;
	s1 =	sor.u32 s1, s14  }
0xd: {  	s5 =	sshrl.u32 s4, $0x3;
	s4 =	sshll.u32 s4, $0x6;
	s12 =	ssub.s32 s6, s8  }
0xe: {  	s16 =	sor.u32 $0x6000, s1;
	s18 =	sor.u32 $0x4000, s1;
	s20 =	sor.u32 $0x2000, s1  }
0xf: {  	s1 =	sshrl.u32 s1, $0x3;
	s6 =	simm.s32 $0x0;
	s7 =	sadd.s32 s5, s0  }
0x10: {  	s9 =	sor.u32 $0x2000, s4;
	s5 =	sadd.s32 $0xF42E00, s0;
	s13 =	sor.u32 $0x4000, s4  }
0x11: {  	s15 =	sor.u32 $0x6000, s4;
	s0 =	smax.u32 s12, $0x1;
	[dreg:$0x3] =	wrdreg s9  }
0x12: {  	s17 =	sshrl.u32 s16, $0x3;
	s19 =	sshrl.u32 s18, $0x3;
	[dreg:$0x4] =	wrdreg s13  }
0x13: {  	s21 =	sshrl.u32 s20, $0x3;
	s22 =	sadd.s32 s1, s2;
	[dreg:$0x5] =	wrdreg s15  }
0x14: {  	s16 =	simm.s32 $0x1;
	s18 =	simm.s32 $0x3;
	[dreg:$0xf] =	wrdreg s0  }
0x15: {  	s20 =	simm.s32 $0x5;
	s7 =	sadd.s32 $0xA00, s7;
	[dreg:$0x13] =	wrdreg s22  }
0x16: {  	s0 =	sadd.s32 s17, s2;
	s15 =	simm.s32 $0x14400;
	[dreg:$0xe] =	wrdreg s7  }
0x17: {  	s17 =	simm.s32 $0x2;
	[dreg:$0x10] =	wrdreg s0;
	s0 =	sadd.s32 s19, s2  }
0x18: {  	s22 =	simm.s32 $0x7;
	[dreg:$0x11] =	wrdreg s0;
	s0 =	sadd.s32 s21, s2  }
0x19: {  	s19 =	simm.s32 $0x4;
	s21 =	simm.s32 $0x6;
	[dreg:$0x12] =	wrdreg s0  }
.LBB2_1:
0x1a: {  	[dreg:$0x14] =	wrdreg s6  }
0x1b: {  	s0 =	rddreg [dreg:$0xe]  }
0x1c: {  	s1 =	simm.s32 $0x200;
	s25 =	simm.s32 $0x4000;
	s26 =	simm.s32 $0x11  }
0x1d: {  	[tilespmem:s3], [sflag:$0x11] =	stream.strided.gather [hbm4b:s0+s1], $0x6400, s25, s1, $0x38;
	[tilespmem:$0x16400] =	vst v63  }
0x1e: {  	p1 =	por $0x0, $0x0;
	_ =	swait.ge [sflag:s26], $0x6400  }
0x1f: {  	p0 =	por p1, p1;
	[sflag:s26] =	ssyncset.done $0x0  }
0x20: {  	s6 =	simm.s32 @p0 $0x9;
	[sflag:s26] =	ssyncadd.s32 $0xFFFF9C00  }
0x21: {  	_ =	swait.ge @p0 [sflag:s6], $0x2000  }
0x22: {  	s7 =	simm.s32 @p0 $0x6400;
	s12 =	simm.s32 @p0 $0xA;
	[sflag:s6] =	ssyncset.done @p0 $0x0  }
0x23: {  	s13 =	simm.s32 @p0 $0x80;
	[sflag:s6] =	ssyncadd.s32 @p0 $0xFFFFE000;
	s6 =	simm.s32 @p0 $0x0  }
0x24: {  	[tilespmem:s7], [sflag:$0x1] =	stream.indirect.gather @p0 [hbm4b:s5+s13], $0x40, s6, s13, $0xb8;
	[tilespmem:$0x16400] =	vst v63  }
0x25: {  	_ =	swait.ge @p0 [sflag:s12], $0x2000  }
0x26: {  	s6 =	simm.s32 @p0 $0x80;
	[sflag:s12] =	ssyncset.done @p0 $0x0  }
0x27: {  	s7 =	simm.s32 @p0 $0x8400;
	[sflag:s12] =	ssyncadd.s32 @p0 $0xFFFFE000;
	s12 =	simm.s32 @p0 $0xB  }
0x28: {  	[tilespmem:s7], [sflag:$0x2] =	stream.indirect.gather @p0 [hbm4b:s5+s13], $0x40, s6, s13, $0xb8;
	[tilespmem:$0x16400] =	vst v63  }
0x29: {  	_ =	swait.ge @p0 [sflag:s12], $0x2000  }
0x2a: {  	s6 =	simm.s32 @p0 $0x100;
	[sflag:s12] =	ssyncset.done @p0 $0x0  }
0x2b: {  	s7 =	simm.s32 @p0 $0xA400;
	[sflag:s12] =	ssyncadd.s32 @p0 $0xFFFFE000;
	s12 =	simm.s32 @p0 $0xC  }
0x2c: {  	[tilespmem:s7], [sflag:$0x3] =	stream.indirect.gather @p0 [hbm4b:s5+s13], $0x40, s6, s13, $0xb8;
	[tilespmem:$0x16400] =	vst v63  }
0x2d: {  	_ =	swait.ge @p0 [sflag:s12], $0x2000  }
0x2e: {  	s6 =	simm.s32 @p0 $0x180;
	[sflag:s12] =	ssyncset.done @p0 $0x0  }
0x2f: {  	s7 =	simm.s32 @p0 $0xC400;
	[sflag:s12] =	ssyncadd.s32 @p0 $0xFFFFE000;
	s12 =	simm.s32 @p0 $0xD  }
0x30: {  	[tilespmem:s7], [sflag:$0x4] =	stream.indirect.gather @p0 [hbm4b:s5+s13], $0x40, s6, s13, $0xb8;
	[tilespmem:$0x16400] =	vst v63  }
0x31: {  	_ =	swait.ge @p0 [sflag:s12], $0x2000  }
0x32: {  	s6 =	simm.s32 @p0 $0x200;
	[sflag:s12] =	ssyncset.done @p0 $0x0  }
0x33: {  	s7 =	simm.s32 @p0 $0xE400;
	[sflag:s12] =	ssyncadd.s32 @p0 $0xFFFFE000;
	s12 =	simm.s32 @p0 $0xE  }
0x34: {  	[tilespmem:s7], [sflag:$0x5] =	stream.indirect.gather @p0 [hbm4b:s5+s13], $0x40, s6, s13, $0xb8;
	[tilespmem:$0x16400] =	vst v63  }
0x35: {  	_ =	swait.ge @p0 [sflag:s12], $0x2000  }
0x36: {  	s6 =	simm.s32 @p0 $0x280;
	[sflag:s12] =	ssyncset.done @p0 $0x0  }
0x37: {  	s7 =	simm.s32 @p0 $0x10400;
	[sflag:s12] =	ssyncadd.s32 @p0 $0xFFFFE000;
	s12 =	simm.s32 @p0 $0xF  }
0x38: {  	[tilespmem:s7], [sflag:$0x6] =	stream.indirect.gather @p0 [hbm4b:s5+s13], $0x40, s6, s13, $0xb8;
	[tilespmem:$0x16400] =	vst v63  }
0x39: {  	_ =	swait.ge @p0 [sflag:s12], $0x2000  }
0x3a: {  	s6 =	simm.s32 @p0 $0x300;
	[sflag:s12] =	ssyncset.done @p0 $0x0  }
0x3b: {  	s7 =	simm.s32 @p0 $0x12400;
	[sflag:s12] =	ssyncadd.s32 @p0 $0xFFFFE000;
	s12 =	simm.s32 @p0 $0x10  }
0x3c: {  	[tilespmem:s7], [sflag:$0x7] =	stream.indirect.gather @p0 [hbm4b:s5+s13], $0x40, s6, s13, $0xb8;
	[tilespmem:$0x16400] =	vst v63  }
0x3d: {  	_ =	swait.ge @p0 [sflag:s12], $0x2000  }
0x3e: {  	s6 =	simm.s32 @!p0 $0x6400;
	[sflag:s12] =	ssyncset.done @p0 $0x0  }
0x3f: {  	s7 =	simm.s32 @!p0 $0x80;
	[sflag:s12] =	ssyncadd.s32 @p0 $0xFFFFE000;
	s12 =	simm.s32 @!p0 $0x0  }
0x40: {  	[tilespmem:s6], [sflag:$0x1] =	stream.indirect.gather @!p0 [hbm4b:s5+s7], $0x40, s12, s7, $0xb8;
	[tilespmem:$0x16400] =	vst v63  }
0x41: {  	s6 =	simm.s32 @!p0 $0x8400  }
0x42: {  	[tilespmem:s6], [sflag:$0x2] =	stream.indirect.gather @!p0 [hbm4b:s5+s7], $0x40, s7, s7, $0xb8;
	[tilespmem:$0x16400] =	vst v63  }
0x43: {  	s12 =	simm.s32 @!p0 $0xA400;
	s6 =	simm.s32 @!p0 $0x100  }
0x44: {  	[tilespmem:s12], [sflag:$0x3] =	stream.indirect.gather @!p0 [hbm4b:s5+s7], $0x40, s6, s7, $0xb8;
	[tilespmem:$0x16400] =	vst v63  }
0x45: {  	s13 =	simm.s32 @!p0 $0xC400;
	s12 =	simm.s32 @!p0 $0x180  }
0x46: {  	[tilespmem:s13], [sflag:$0x4] =	stream.indirect.gather @!p0 [hbm4b:s5+s7], $0x40, s12, s7, $0xb8;
	[tilespmem:$0x16400] =	vst v63  }
0x47: {  	s6 =	simm.s32 @p1 $0x800;
	s12 =	simm.s32 @!p0 $0x200;
	s13 =	simm.s32 @!p0 $0xE400  }
0x48: {  	[tilespmem:s13], [sflag:$0x5] =	stream.indirect.gather @!p0 [hbm4b:s5+s7], $0x40, s12, s7, $0xb8;
	[tilespmem:$0x16400] =	vst v63  }
0x49: {  	s6 =	simm.s32 @!p1 $0x800;
	s12 =	simm.s32 @!p0 $0x280;
	s13 =	simm.s32 @!p0 $0x10400  }
0x4a: {  	[tilespmem:s13], [sflag:$0x6] =	stream.indirect.gather @!p0 [hbm4b:s5+s7], $0x40, s12, s7, $0xb8;
	[tilespmem:$0x16400] =	vst v63  }
0x4b: {  	s6 =	sshra.s32 s6, $0x2;
	s12 =	simm.s32 @!p0 $0x300;
	s13 =	simm.s32 @!p0 $0x12400  }
0x4c: {  	[tilespmem:s13], [sflag:$0x7] =	stream.indirect.gather @!p0 [hbm4b:s5+s7], $0x40, s12, s7, $0xb8;
	[tilespmem:$0x16400] =	vst v63  }
0x4d: {  	s14 =	rddreg [dreg:$0x6];
	s6 =	sadd.s32 $0x180, s6  }
0x4e: {  	[tilespmem:s15], [sflag:$0x8] =	stream.indirect.gather [hbm4b:s5+s14], $0x40, s6, s14, $0xb8;
	[tilespmem:$0x16400] =	vst v63  }
0x4f: {  	_ =	swait.ge [sflag:s16], $0x2000  }
0x50: {  	s29 =	rddreg [dreg:$0x7];
	[sflag:s16] =	ssyncset.done $0x0  }
0x51: {  	s9 =	rddreg [dreg:$0x13];
	[sflag:s16] =	ssyncadd.s32 $0xFFFFE000  }
0x52: {  	[hbm4b:s9+s3] =	stream.linear.scatter [tilespmem:s29], [sflag:$0x9], $0x2000, $0x38;
	[tilespmem:$0x16400] =	vst v63  }
0x53: {  	_ =	swait.ge [sflag:s17], $0x2000  }
0x54: {  	s30 =	rddreg [dreg:$0x8];
	[sflag:s17] =	ssyncset.done $0x0  }
0x55: {  	s8 =	rddreg [dreg:$0x12];
	[sflag:s17] =	ssyncadd.s32 $0xFFFFE000  }
0x56: {  	[hbm4b:s8+s3] =	stream.linear.scatter [tilespmem:s30], [sflag:$0xA], $0x2000, $0x38;
	[tilespmem:$0x16400] =	vst v63  }
0x57: {  	_ =	swait.ge [sflag:s18], $0x2000  }
0x58: {  	s31 =	rddreg [dreg:$0x9];
	[sflag:s18] =	ssyncset.done $0x0  }
0x59: {  	s0 =	rddreg [dreg:$0x11];
	[sflag:s18] =	ssyncadd.s32 $0xFFFFE000  }
0x5a: {  	[hbm4b:s0+s3] =	stream.linear.scatter [tilespmem:s31], [sflag:$0xB], $0x2000, $0x38;
	[tilespmem:$0x16400] =	vst v63  }
0x5b: {  	_ =	swait.ge [sflag:s19], $0x2000  }
0x5c: {  	s7 =	simm.s32 $0x100000;
	s10 =	rddreg [dreg:$0xa];
	[sflag:s19] =	ssyncset.done $0x0  }
0x5d: {  	s7 =	simm.s32 @!p0 $0x100000;
	s11 =	rddreg [dreg:$0x10];
	[sflag:s19] =	ssyncadd.s32 $0xFFFFE000  }
0x5e: {  	[hbm4b:s11+s3] =	stream.linear.scatter [tilespmem:s10], [sflag:$0xC], $0x2000, $0x38;
	[tilespmem:$0x16400] =	vst v63  }
0x5f: {  	s13 =	sor.u32 s4, s7;
	_ =	swait.ge [sflag:s20], $0x2000  }
0x60: {  	s6 =	sshrl.u32 s13, $0x3;
	[sflag:s20] =	ssyncset.done $0x0  }
0x61: {  	s6 =	sadd.s32 s2, s6;
	s14 =	rddreg [dreg:$0xb];
	[sflag:s20] =	ssyncadd.s32 $0xFFFFE000  }
0x62: {  	[hbm4b:s6+s3] =	stream.linear.scatter [tilespmem:s14], [sflag:$0xD], $0x2000, $0x38;
	[tilespmem:$0x16400] =	vst v63  }
0x63: {  	_ =	swait.ge [sflag:s21], $0x2000  }
0x64: {  	s24 =	rddreg [dreg:$0x3]  }
0x65: {  	s6 =	sor.u32 s24, s7  }
0x66: {  	[sflag:s21] =	ssyncset.done $0x0;
	s6 =	sshrl.u32 s6, $0x3  }
0x67: {  	s25 =	rddreg [dreg:$0xc];
	[sflag:s21] =	ssyncadd.s32 $0xFFFFE000;
	s6 =	sadd.s32 s2, s6  }
0x68: {  	[hbm4b:s6+s3] =	stream.linear.scatter [tilespmem:s25], [sflag:$0xE], $0x2000, $0x38;
	[tilespmem:$0x16400] =	vst v63  }
0x69: {  	_ =	swait.ge [sflag:s22], $0x2000  }
0x6a: {  	p0 =	por $0x1, $0x1;
	s26 =	rddreg [dreg:$0x4]  }
0x6b: {  	s13 =	sadd.s32 $0x40000, s11;
	s14 =	sadd.s32 $0x40000, s9;
	s6 =	sor.u32 s26, s7  }
0x6c: {  	s25 =	simm.s32 $0x2000;
	[sflag:s22] =	ssyncset.done $0x0;
	s6 =	sshrl.u32 s6, $0x3  }
0x6d: {  	s29 =	rddreg [dreg:$0xd];
	[sflag:s22] =	ssyncadd.s32 $0xFFFFE000;
	s6 =	sadd.s32 s2, s6  }
0x6e: {  	[hbm4b:s6+s3] =	stream.linear.scatter [tilespmem:s29], [sflag:$0xF], $0x2000, $0x38;
	[tilespmem:$0x16400] =	vst v63  }
0x6f: {  	s26 =	simm.s32 $0x1000;
	s6 =	simm.s32 @p0 $0x1800;
	_ =	swait.ge [sflag:s23], $0x2000  }
0x70: {  	s6 =	simm.s32 @!p0 $0x800;
	p0 =	por p0, p0;
	s30 =	rddreg [dreg:$0x5]  }
0x71: {  	s24 =	sshra.s32 s6, $0x2;
	[sflag:s23] =	ssyncset.done $0x0;
	s31 =	sor.u32 s30, s7  }
0x72: {  	s6 =	sadd.s32 $0x40000, s0;
	[sflag:s23] =	ssyncadd.s32 $0xFFFFE000;
	s12 =	sshrl.u32 s31, $0x3  }
0x73: {  	s7 =	sadd.s32 $0x40000, s8;
	s28 =	sadd.s32 s2, s12;
	s12 =	simm.s32 $0x300000  }
.LBB2_2:
0x74: {  	[hbm4b:s28+s3] =	stream.linear.scatter [tilespmem:s15], [sflag:$0x10], $0x2000, $0x38;
	[tilespmem:$0x16400] =	vst v63  }
0x75: {  	s29 =	simm.s32 @p0 $0x9  }
0x76: {  	_ =	swait.ge @p0 [sflag:s29], $0x2000  }
0x77: {  	s31 =	simm.s32 @p0 $0x6400;
	s0 =	simm.s32 @p0 $0xA;
	[sflag:s29] =	ssyncset.done @p0 $0x0  }
0x78: {  	s26 =	sshra.s32 @p0 s26, $0x2;
	[sflag:s29] =	ssyncadd.s32 @p0 $0xFFFFE000;
	s29 =	simm.s32 @p0 $0x80  }
0x79: {  	[tilespmem:s31], [sflag:$0x1] =	stream.indirect.gather @p0 [hbm4b:s5+s29], $0x40, s26, s29, $0xb8;
	[tilespmem:$0x16400] =	vst v63  }
0x7a: {  	_ =	swait.ge @p0 [sflag:s0], $0x2000  }
0x7b: {  	s11 =	simm.s32 @p0 $0xB;
	[sflag:s0] =	ssyncset.done @p0 $0x0  }
0x7c: {  	s31 =	sadd.s32 @p0 $0x80, s26;
	[sflag:s0] =	ssyncadd.s32 @p0 $0xFFFFE000;
	s0 =	simm.s32 @p0 $0x8400  }
0x7d: {  	[tilespmem:s0], [sflag:$0x2] =	stream.indirect.gather @p0 [hbm4b:s5+s29], $0x40, s31, s29, $0xb8;
	[tilespmem:$0x16400] =	vst v63  }
0x7e: {  	_ =	swait.ge @p0 [sflag:s11], $0x2000  }
0x7f: {  	s1 =	simm.s32 @p0 $0xC;
	[sflag:s11] =	ssyncset.done @p0 $0x0  }
0x80: {  	s9 =	sadd.s32 @p0 $0x100, s26;
	[sflag:s11] =	ssyncadd.s32 @p0 $0xFFFFE000;
	s11 =	simm.s32 @p0 $0xA400  }
0x81: {  	[tilespmem:s11], [sflag:$0x3] =	stream.indirect.gather @p0 [hbm4b:s5+s29], $0x40, s9, s29, $0xb8;
	[tilespmem:$0x16400] =	vst v63  }
0x82: {  	_ =	swait.ge @p0 [sflag:s1], $0x2000  }
0x83: {  	s8 =	sadd.s32 @p0 $0x180, s26;
	[sflag:s1] =	ssyncset.done @p0 $0x0  }
0x84: {  	s9 =	simm.s32 @p0 $0xD;
	[sflag:s1] =	ssyncadd.s32 @p0 $0xFFFFE000;
	s1 =	simm.s32 @p0 $0xC400  }
0x85: {  	[tilespmem:s1], [sflag:$0x4] =	stream.indirect.gather @p0 [hbm4b:s5+s29], $0x40, s8, s29, $0xb8;
	[tilespmem:$0x16400] =	vst v63  }
0x86: {  	_ =	swait.ge @p0 [sflag:s9], $0x2000  }
0x87: {  	s10 =	sadd.s32 @p0 $0x200, s26;
	[sflag:s9] =	ssyncset.done @p0 $0x0  }
0x88: {  	s1 =	simm.s32 @p0 $0xE400;
	s8 =	simm.s32 @p0 $0xE;
	[sflag:s9] =	ssyncadd.s32 @p0 $0xFFFFE000  }
0x89: {  	[tilespmem:s1], [sflag:$0x5] =	stream.indirect.gather @p0 [hbm4b:s5+s29], $0x40, s10, s29, $0xb8;
	[tilespmem:$0x16400] =	vst v63  }
0x8a: {  	_ =	swait.ge @p0 [sflag:s8], $0x2000  }
0x8b: {  	s0 =	sadd.s32 @p0 $0x280, s26;
	[sflag:s8] =	ssyncset.done @p0 $0x0  }
0x8c: {  	s1 =	simm.s32 @p0 $0x10400;
	[sflag:s8] =	ssyncadd.s32 @p0 $0xFFFFE000;
	s8 =	simm.s32 @p0 $0xF  }
0x8d: {  	[tilespmem:s1], [sflag:$0x6] =	stream.indirect.gather @p0 [hbm4b:s5+s29], $0x40, s0, s29, $0xb8;
	[tilespmem:$0x16400] =	vst v63  }
0x8e: {  	_ =	swait.ge @p0 [sflag:s8], $0x2000  }
0x8f: {  	s31 =	sadd.s32 @p0 $0x300, s26;
	[sflag:s8] =	ssyncset.done @p0 $0x0  }
0x90: {  	s0 =	simm.s32 @p0 $0x12400;
	s1 =	simm.s32 @p0 $0x10;
	[sflag:s8] =	ssyncadd.s32 @p0 $0xFFFFE000  }
0x91: {  	[tilespmem:s0], [sflag:$0x7] =	stream.indirect.gather @p0 [hbm4b:s5+s29], $0x40, s31, s29, $0xb8;
	[tilespmem:$0x16400] =	vst v63  }
0x92: {  	_ =	swait.ge @p0 [sflag:s1], $0x2000  }
0x93: {  	s8 =	simm.s32 @!p0 $0x0;
	[sflag:s1] =	ssyncset.done @p0 $0x0  }
0x94: {  	s0 =	simm.s32 @!p0 $0x6400;
	[sflag:s1] =	ssyncadd.s32 @p0 $0xFFFFE000;
	s1 =	simm.s32 @!p0 $0x80  }
0x95: {  	[tilespmem:s0], [sflag:$0x1] =	stream.indirect.gather @!p0 [hbm4b:s5+s1], $0x40, s8, s1, $0xb8;
	[tilespmem:$0x16400] =	vst v63  }
0x96: {  	s0 =	simm.s32 @!p0 $0x8400  }
0x97: {  	[tilespmem:s0], [sflag:$0x2] =	stream.indirect.gather @!p0 [hbm4b:s5+s1], $0x40, s1, s1, $0xb8;
	[tilespmem:$0x16400] =	vst v63  }
0x98: {  	s8 =	simm.s32 @!p0 $0xA400;
	s0 =	simm.s32 @!p0 $0x100  }
0x99: {  	[tilespmem:s8], [sflag:$0x3] =	stream.indirect.gather @!p0 [hbm4b:s5+s1], $0x40, s0, s1, $0xb8;
	[tilespmem:$0x16400] =	vst v63  }
0x9a: {  	s0 =	simm.s32 @!p0 $0x180;
	s8 =	simm.s32 @!p0 $0xC400  }
0x9b: {  	[tilespmem:s8], [sflag:$0x4] =	stream.indirect.gather @!p0 [hbm4b:s5+s1], $0x40, s0, s1, $0xb8;
	[tilespmem:$0x16400] =	vst v63  }
0x9c: {  	s0 =	simm.s32 @!p0 $0x200;
	s8 =	simm.s32 @!p0 $0xE400  }
0x9d: {  	[tilespmem:s8], [sflag:$0x5] =	stream.indirect.gather @!p0 [hbm4b:s5+s1], $0x40, s0, s1, $0xb8;
	[tilespmem:$0x16400] =	vst v63  }
0x9e: {  	s0 =	simm.s32 @!p0 $0x280;
	s8 =	simm.s32 @!p0 $0x10400  }
0x9f: {  	[tilespmem:s8], [sflag:$0x6] =	stream.indirect.gather @!p0 [hbm4b:s5+s1], $0x40, s0, s1, $0xb8;
	[tilespmem:$0x16400] =	vst v63  }
0xa0: {  	s0 =	simm.s32 @!p0 $0x300;
	s8 =	simm.s32 @!p0 $0x12400  }
0xa1: {  	[tilespmem:s8], [sflag:$0x7] =	stream.indirect.gather @!p0 [hbm4b:s5+s1], $0x40, s0, s1, $0xb8;
	[tilespmem:$0x16400] =	vst v63  }
0xa2: {  	s11 =	sadd.s32 $0x180, s24;
	s10 =	rddreg [dreg:$0x6]  }
0xa3: {  	[tilespmem:s15], [sflag:$0x8] =	stream.indirect.gather [hbm4b:s5+s10], $0x40, s11, s10, $0xb8;
	[tilespmem:$0x16400] =	vst v63  }
0xa4: {  	_ =	swait.ge [sflag:s16], $0x2000  }
0xa5: {  	s28 =	smov.u32 s25;
	[sflag:s16] =	ssyncset.done $0x0  }
0xa6: {  	p2 =	sne.s32 s28, $0x0;
	s29 =	rddreg [dreg:$0x7];
	[sflag:s16] =	ssyncadd.s32 $0xFFFFE000  }
0xa7: {  	[hbm4b:s14+s3] =	stream.linear.scatter [tilespmem:s29], [sflag:$0x9], $0x2000, $0x38;
	[tilespmem:$0x16400] =	vst v63  }
0xa8: {  	s30 =	sadd.s32 @p2 $0x800, s28;
	_ =	swait.ge [sflag:s17], $0x2000  }
0xa9: {  	s30 =	simm.s32 @!p2 $0x800;
	s26 =	smov.u32 s28;
	[sflag:s17] =	ssyncset.done $0x0  }
0xaa: {  	s28 =	sshra.s32 s30, $0x2;
	s30 =	rddreg [dreg:$0x8];
	[sflag:s17] =	ssyncadd.s32 $0xFFFFE000  }
0xab: {  	[hbm4b:s7+s3] =	stream.linear.scatter [tilespmem:s30], [sflag:$0xA], $0x2000, $0x38;
	[tilespmem:$0x16400] =	vst v63  }
0xac: {  	_ =	swait.ge [sflag:s18], $0x2000  }
0xad: {  	[sflag:s18] =	ssyncset.done $0x0  }
0xae: {  	s31 =	rddreg [dreg:$0x9];
	[sflag:s18] =	ssyncadd.s32 $0xFFFFE000  }
0xaf: {  	[hbm4b:s6+s3] =	stream.linear.scatter [tilespmem:s31], [sflag:$0xB], $0x2000, $0x38;
	[tilespmem:$0x16400] =	vst v63  }
0xb0: {  	_ =	swait.ge [sflag:s19], $0x2000  }
0xb1: {  	s0 =	smov.u32 s12;
	[sflag:s19] =	ssyncset.done $0x0  }
0xb2: {  	s0 =	simm.s32 @!p0 $0x100000;
	s1 =	rddreg [dreg:$0xa];
	[sflag:s19] =	ssyncadd.s32 $0xFFFFE000  }
0xb3: {  	[hbm4b:s13+s3] =	stream.linear.scatter [tilespmem:s1], [sflag:$0xC], $0x2000, $0x38;
	[tilespmem:$0x16400] =	vst v63  }
0xb4: {  	s8 =	sor.u32 s4, s0;
	_ =	swait.ge [sflag:s20], $0x2000  }
0xb5: {  	s1 =	sshrl.u32 s8, $0x3;
	[sflag:s20] =	ssyncset.done $0x0  }
0xb6: {  	s1 =	sadd.s32 s2, s1;
	s9 =	rddreg [dreg:$0xb];
	[sflag:s20] =	ssyncadd.s32 $0xFFFFE000  }
0xb7: {  	[hbm4b:s1+s3] =	stream.linear.scatter [tilespmem:s9], [sflag:$0xD], $0x2000, $0x38;
	[tilespmem:$0x16400] =	vst v63  }
0xb8: {  	_ =	swait.ge [sflag:s21], $0x2000  }
0xb9: {  	s10 =	rddreg [dreg:$0x3]  }
0xba: {  	s1 =	sor.u32 s10, s0  }
0xbb: {  	[sflag:s21] =	ssyncset.done $0x0;
	s1 =	sshrl.u32 s1, $0x3  }
0xbc: {  	s11 =	rddreg [dreg:$0xc];
	[sflag:s21] =	ssyncadd.s32 $0xFFFFE000;
	s1 =	sadd.s32 s2, s1  }
0xbd: {  	[hbm4b:s1+s3] =	stream.linear.scatter [tilespmem:s11], [sflag:$0xE], $0x2000, $0x38;
	[tilespmem:$0x16400] =	vst v63  }
0xbe: {  	_ =	swait.ge [sflag:s22], $0x2000  }
0xbf: {  	s29 =	rddreg [dreg:$0x4]  }
0xc0: {  	s25 =	sadd.s32 $0x1000, s25;
	s1 =	sor.u32 s29, s0  }
0xc1: {  	p1 =	sne.s32 s25, $0x19000;
	[sflag:s22] =	ssyncset.done $0x0;
	s1 =	sshrl.u32 s1, $0x3  }
0xc2: {  	s30 =	rddreg [dreg:$0xd];
	[sflag:s22] =	ssyncadd.s32 $0xFFFFE000;
	s1 =	sadd.s32 s2, s1  }
0xc3: {  	[hbm4b:s1+s3] =	stream.linear.scatter [tilespmem:s30], [sflag:$0xF], $0x2000, $0x38;
	[tilespmem:$0x16400] =	vst v63  }
.Ltmp0:
0xc4: {  	s24 =	smov.u32 s28;
	_ =	swait.ge [sflag:s23], $0x2000;
	(pc) =	sbr.rel @p1 .LBB2_2-.Ltmp0, $4  }
0xc5: {  	s12 =	sadd.s32 $0x200000, s12;
	p0 =	por p2, p2;
	s31 =	rddreg [dreg:$0x5]  }
0xc6: {  	s14 =	sadd.s32 $0x40000, s14;
	s7 =	sadd.s32 $0x40000, s7;
	s0 =	sor.u32 s31, s0  }
0xc7: {  	s6 =	sadd.s32 $0x40000, s6;
	[sflag:s23] =	ssyncset.done $0x0;
	s0 =	sshrl.u32 s0, $0x3  }
0xc8: {  	s13 =	sadd.s32 $0x40000, s13;
	[sflag:s23] =	ssyncadd.s32 $0xFFFFE000;
	s28 =	sadd.s32 s2, s0  }
0xc9: {  	[hbm4b:s28+s3] =	stream.linear.scatter [tilespmem:s15], [sflag:$0x10], $0x2000, $0x38;
	[tilespmem:$0x16400] =	vst v63  }
0xca: {  	s0 =	simm.s32 @p0 $0x9  }
0xcb: {  	_ =	swait.ge @p0 [sflag:s0], $0x2000  }
0xcc: {  	s1 =	simm.s32 @p0 $0x6400;
	s8 =	simm.s32 @p0 $0xA;
	[sflag:s0] =	ssyncset.done @p0 $0x0  }
0xcd: {  	s9 =	simm.s32 @p0 $0x80;
	[sflag:s0] =	ssyncadd.s32 @p0 $0xFFFFE000;
	s0 =	sshra.s32 @p0 s26, $0x2  }
0xce: {  	[tilespmem:s1], [sflag:$0x1] =	stream.indirect.gather @p0 [hbm4b:s5+s9], $0x40, s0, s9, $0xb8;
	[tilespmem:$0x16400] =	vst v63  }
0xcf: {  	_ =	swait.ge @p0 [sflag:s8], $0x2000  }
0xd0: {  	[sflag:s8] =	ssyncset.done @p0 $0x0  }
0xd1: {  	s1 =	sadd.s32 @p0 $0x80, s0;
	[sflag:s8] =	ssyncadd.s32 @p0 $0xFFFFE000;
	s8 =	simm.s32 @p0 $0x8400  }
0xd2: {  	[tilespmem:s8], [sflag:$0x2] =	stream.indirect.gather @p0 [hbm4b:s5+s9], $0x40, s1, s9, $0xb8;
	[tilespmem:$0x16400] =	vst v63  }
0xd3: {  	s1 =	simm.s32 @p0 $0xB  }
0xd4: {  	_ =	swait.ge @p0 [sflag:s1], $0x2000  }
0xd5: {  	[sflag:s1] =	ssyncset.done @p0 $0x0  }
0xd6: {  	s8 =	sadd.s32 @p0 $0x100, s0;
	[sflag:s1] =	ssyncadd.s32 @p0 $0xFFFFE000;
	s1 =	simm.s32 @p0 $0xA400  }
0xd7: {  	[tilespmem:s1], [sflag:$0x3] =	stream.indirect.gather @p0 [hbm4b:s5+s9], $0x40, s8, s9, $0xb8;
	[tilespmem:$0x16400] =	vst v63  }
0xd8: {  	s1 =	simm.s32 @p0 $0xC  }
0xd9: {  	_ =	swait.ge @p0 [sflag:s1], $0x2000  }
0xda: {  	[sflag:s1] =	ssyncset.done @p0 $0x0  }
0xdb: {  	s8 =	sadd.s32 @p0 $0x180, s0;
	[sflag:s1] =	ssyncadd.s32 @p0 $0xFFFFE000;
	s1 =	simm.s32 @p0 $0xC400  }
0xdc: {  	[tilespmem:s1], [sflag:$0x4] =	stream.indirect.gather @p0 [hbm4b:s5+s9], $0x40, s8, s9, $0xb8;
	[tilespmem:$0x16400] =	vst v63  }
0xdd: {  	s1 =	simm.s32 @p0 $0xD  }
0xde: {  	_ =	swait.ge @p0 [sflag:s1], $0x2000  }
0xdf: {  	[sflag:s1] =	ssyncset.done @p0 $0x0  }
0xe0: {  	s8 =	sadd.s32 @p0 $0x200, s0;
	[sflag:s1] =	ssyncadd.s32 @p0 $0xFFFFE000;
	s1 =	simm.s32 @p0 $0xE400  }
0xe1: {  	[tilespmem:s1], [sflag:$0x5] =	stream.indirect.gather @p0 [hbm4b:s5+s9], $0x40, s8, s9, $0xb8;
	[tilespmem:$0x16400] =	vst v63  }
0xe2: {  	s1 =	simm.s32 @p0 $0xE  }
0xe3: {  	_ =	swait.ge @p0 [sflag:s1], $0x2000  }
0xe4: {  	[sflag:s1] =	ssyncset.done @p0 $0x0  }
0xe5: {  	s8 =	sadd.s32 @p0 $0x280, s0;
	[sflag:s1] =	ssyncadd.s32 @p0 $0xFFFFE000;
	s1 =	simm.s32 @p0 $0x10400  }
0xe6: {  	[tilespmem:s1], [sflag:$0x6] =	stream.indirect.gather @p0 [hbm4b:s5+s9], $0x40, s8, s9, $0xb8;
	[tilespmem:$0x16400] =	vst v63  }
0xe7: {  	s1 =	simm.s32 @p0 $0xF  }
0xe8: {  	_ =	swait.ge @p0 [sflag:s1], $0x2000  }
0xe9: {  	s0 =	sadd.s32 @p0 $0x300, s0;
	[sflag:s1] =	ssyncset.done @p0 $0x0  }
0xea: {  	s8 =	simm.s32 @p0 $0x10;
	[sflag:s1] =	ssyncadd.s32 @p0 $0xFFFFE000;
	s1 =	simm.s32 @p0 $0x12400  }
0xeb: {  	[tilespmem:s1], [sflag:$0x7] =	stream.indirect.gather @p0 [hbm4b:s5+s9], $0x40, s0, s9, $0xb8;
	[tilespmem:$0x16400] =	vst v63  }
0xec: {  	_ =	swait.ge @p0 [sflag:s8], $0x2000  }
0xed: {  	s0 =	simm.s32 @!p0 $0x6400;
	[sflag:s8] =	ssyncset.done @p0 $0x0  }
0xee: {  	s1 =	simm.s32 @!p0 $0x80;
	[sflag:s8] =	ssyncadd.s32 @p0 $0xFFFFE000;
	s8 =	simm.s32 @!p0 $0x0  }
0xef: {  	[tilespmem:s0], [sflag:$0x1] =	stream.indirect.gather @!p0 [hbm4b:s5+s1], $0x40, s8, s1, $0xb8;
	[tilespmem:$0x16400] =	vst v63  }
0xf0: {  	s0 =	simm.s32 @!p0 $0x8400  }
0xf1: {  	[tilespmem:s0], [sflag:$0x2] =	stream.indirect.gather @!p0 [hbm4b:s5+s1], $0x40, s1, s1, $0xb8;
	[tilespmem:$0x16400] =	vst v63  }
0xf2: {  	s8 =	simm.s32 @!p0 $0xA400;
	s0 =	simm.s32 @!p0 $0x100  }
0xf3: {  	[tilespmem:s8], [sflag:$0x3] =	stream.indirect.gather @!p0 [hbm4b:s5+s1], $0x40, s0, s1, $0xb8;
	[tilespmem:$0x16400] =	vst v63  }
0xf4: {  	s0 =	simm.s32 @!p0 $0x180;
	s8 =	simm.s32 @!p0 $0xC400  }
0xf5: {  	[tilespmem:s8], [sflag:$0x4] =	stream.indirect.gather @!p0 [hbm4b:s5+s1], $0x40, s0, s1, $0xb8;
	[tilespmem:$0x16400] =	vst v63  }
0xf6: {  	s0 =	simm.s32 @!p0 $0x200;
	s8 =	simm.s32 @!p0 $0xE400  }
0xf7: {  	[tilespmem:s8], [sflag:$0x5] =	stream.indirect.gather @!p0 [hbm4b:s5+s1], $0x40, s0, s1, $0xb8;
	[tilespmem:$0x16400] =	vst v63  }
0xf8: {  	s0 =	simm.s32 @!p0 $0x280;
	s8 =	simm.s32 @!p0 $0x10400  }
0xf9: {  	[tilespmem:s8], [sflag:$0x6] =	stream.indirect.gather @!p0 [hbm4b:s5+s1], $0x40, s0, s1, $0xb8;
	[tilespmem:$0x16400] =	vst v63  }
0xfa: {  	s0 =	simm.s32 @!p0 $0x300;
	s8 =	simm.s32 @!p0 $0x12400  }
0xfb: {  	[tilespmem:s8], [sflag:$0x7] =	stream.indirect.gather @!p0 [hbm4b:s5+s1], $0x40, s0, s1, $0xb8;
	[tilespmem:$0x16400] =	vst v63  }
0xfc: {  	s26 =	sadd.s32 $0x180, s24;
	s25 =	rddreg [dreg:$0x6]  }
0xfd: {  	[tilespmem:s15], [sflag:$0x8] =	stream.indirect.gather [hbm4b:s5+s25], $0x40, s26, s25, $0xb8;
	[tilespmem:$0x16400] =	vst v63  }
0xfe: {  	_ =	swait.ge [sflag:s16], $0x2000  }
0xff: {  	[sflag:s16] =	ssyncset.done $0x0  }
0x100: {  	s28 =	rddreg [dreg:$0x7];
	[sflag:s16] =	ssyncadd.s32 $0xFFFFE000  }
0x101: {  	[hbm4b:s14+s3] =	stream.linear.scatter [tilespmem:s28], [sflag:$0x9], $0x2000, $0x38;
	[tilespmem:$0x16400] =	vst v63  }
0x102: {  	_ =	swait.ge [sflag:s17], $0x2000  }
0x103: {  	[sflag:s17] =	ssyncset.done $0x0  }
0x104: {  	s29 =	rddreg [dreg:$0x8];
	[sflag:s17] =	ssyncadd.s32 $0xFFFFE000  }
0x105: {  	[hbm4b:s7+s3] =	stream.linear.scatter [tilespmem:s29], [sflag:$0xA], $0x2000, $0x38;
	[tilespmem:$0x16400] =	vst v63  }
0x106: {  	_ =	swait.ge [sflag:s18], $0x2000  }
0x107: {  	[sflag:s18] =	ssyncset.done $0x0  }
0x108: {  	s30 =	rddreg [dreg:$0x9];
	[sflag:s18] =	ssyncadd.s32 $0xFFFFE000  }
0x109: {  	[hbm4b:s6+s3] =	stream.linear.scatter [tilespmem:s30], [sflag:$0xB], $0x2000, $0x38;
	[tilespmem:$0x16400] =	vst v63  }
0x10a: {  	_ =	swait.ge [sflag:s19], $0x2000  }
0x10b: {  	[sflag:s19] =	ssyncset.done $0x0  }
0x10c: {  	s12 =	simm.s32 @!p0 $0x100000;
	s31 =	rddreg [dreg:$0xa];
	[sflag:s19] =	ssyncadd.s32 $0xFFFFE000  }
0x10d: {  	[hbm4b:s13+s3] =	stream.linear.scatter [tilespmem:s31], [sflag:$0xC], $0x2000, $0x38;
	[tilespmem:$0x16400] =	vst v63  }
0x10e: {  	s1 =	sor.u32 s4, s12;
	_ =	swait.ge [sflag:s20], $0x2000  }
0x10f: {  	s0 =	sshrl.u32 s1, $0x3;
	[sflag:s20] =	ssyncset.done $0x0  }
0x110: {  	s0 =	sadd.s32 s2, s0;
	s6 =	rddreg [dreg:$0xb];
	[sflag:s20] =	ssyncadd.s32 $0xFFFFE000  }
0x111: {  	[hbm4b:s0+s3] =	stream.linear.scatter [tilespmem:s6], [sflag:$0xD], $0x2000, $0x38;
	[tilespmem:$0x16400] =	vst v63  }
0x112: {  	_ =	swait.ge [sflag:s21], $0x2000  }
0x113: {  	s7 =	rddreg [dreg:$0x3]  }
0x114: {  	s0 =	sor.u32 s7, s12  }
0x115: {  	[sflag:s21] =	ssyncset.done $0x0;
	s0 =	sshrl.u32 s0, $0x3  }
0x116: {  	s8 =	rddreg [dreg:$0xc];
	[sflag:s21] =	ssyncadd.s32 $0xFFFFE000;
	s0 =	sadd.s32 s2, s0  }
0x117: {  	[hbm4b:s0+s3] =	stream.linear.scatter [tilespmem:s8], [sflag:$0xE], $0x2000, $0x38;
	[tilespmem:$0x16400] =	vst v63  }
0x118: {  	_ =	swait.ge [sflag:s22], $0x2000  }
0x119: {  	s9 =	rddreg [dreg:$0x4]  }
0x11a: {  	s0 =	sor.u32 s9, s12  }
0x11b: {  	[sflag:s22] =	ssyncset.done $0x0;
	s0 =	sshrl.u32 s0, $0x3  }
0x11c: {  	s10 =	rddreg [dreg:$0xd];
	[sflag:s22] =	ssyncadd.s32 $0xFFFFE000;
	s0 =	sadd.s32 s2, s0  }
0x11d: {  	[hbm4b:s0+s3] =	stream.linear.scatter [tilespmem:s10], [sflag:$0xF], $0x2000, $0x38;
	[tilespmem:$0x16400] =	vst v63  }
0x11e: {  	_ =	swait.ge [sflag:s23], $0x2000  }
0x11f: {  	s11 =	rddreg [dreg:$0x5]  }
0x120: {  	s0 =	sor.u32 s11, s12  }
0x121: {  	[sflag:s23] =	ssyncset.done $0x0;
	s0 =	sshrl.u32 s0, $0x3  }
0x122: {  	[sflag:s23] =	ssyncadd.s32 $0xFFFFE000;
	s12 =	simm.s32 $0x9;
	s0 =	sadd.s32 s2, s0  }
0x123: {  	[hbm4b:s0+s3] =	stream.linear.scatter [tilespmem:s15], [sflag:$0x10], $0x2000, $0x38;
	[tilespmem:$0x16400] =	vst v63  }
0x124: {  	_ =	swait.ge [sflag:s12], $0x2000  }
0x125: {  	[sflag:s12] =	ssyncset.done $0x0  }
0x126: {  	s13 =	simm.s32 $0xA;
	[sflag:s12] =	ssyncadd.s32 $0xFFFFE000  }
0x127: {  	_ =	swait.ge [sflag:s13], $0x2000  }
0x128: {  	[sflag:s13] =	ssyncset.done $0x0  }
0x129: {  	s14 =	simm.s32 $0xB;
	[sflag:s13] =	ssyncadd.s32 $0xFFFFE000  }
0x12a: {  	_ =	swait.ge [sflag:s14], $0x2000  }
0x12b: {  	[sflag:s14] =	ssyncset.done $0x0  }
0x12c: {  	s24 =	simm.s32 $0xC;
	[sflag:s14] =	ssyncadd.s32 $0xFFFFE000  }
0x12d: {  	_ =	swait.ge [sflag:s24], $0x2000  }
0x12e: {  	[sflag:s24] =	ssyncset.done $0x0  }
0x12f: {  	s25 =	simm.s32 $0xD;
	[sflag:s24] =	ssyncadd.s32 $0xFFFFE000  }
0x130: {  	_ =	swait.ge [sflag:s25], $0x2000  }
0x131: {  	[sflag:s25] =	ssyncset.done $0x0  }
0x132: {  	s26 =	simm.s32 $0xE;
	[sflag:s25] =	ssyncadd.s32 $0xFFFFE000  }
0x133: {  	_ =	swait.ge [sflag:s26], $0x2000  }
0x134: {  	[sflag:s26] =	ssyncset.done $0x0  }
0x135: {  	s28 =	simm.s32 $0xF;
	[sflag:s26] =	ssyncadd.s32 $0xFFFFE000  }
0x136: {  	_ =	swait.ge [sflag:s28], $0x2000  }
0x137: {  	[sflag:s28] =	ssyncset.done $0x0  }
0x138: {  	s29 =	simm.s32 $0x10;
	[sflag:s28] =	ssyncadd.s32 $0xFFFFE000  }
0x139: {  	_ =	swait.ge [sflag:s29], $0x2000  }
0x13a: {  	s30 =	rddreg [dreg:$0x14]  }
0x13b: {  	s31 =	rddreg [dreg:$0xf];
	s6 =	sadd.s32 $0x1, s30  }
0x13c: {  	p0 =	sne.s32 s6, s31  }
.Ltmp1:
0x13d: {  	_ = 	snop;
	(pc) =	sbr.rel @p0 .LBB2_1-.Ltmp1, $3  }
0x13e: {  	_ =	sdelay $0x1  }
0x13f: {  	[sflag:s29] =	ssyncset.done $0x0  }
0x140: {  	[sflag:s29] =	ssyncadd.s32 $0xFFFFE000  }
0x141: {  	_ =	sfence.sel $0x180000  }
0x142: {  	[bflag:$0x0] =	sbarrier.arrive $0xFFFF  }
0x143: {  	_ =	strace $0x90000047  }
0x144: {  	s0 =	stileid.u32;
	[bflag:$0x2] =	sbarrier.arrive $0xFFFF  }
0x145: {  	p0 =	sne.s32 s0, $0x0;
	s0 =	rddreg [dreg:$0x2]  }
0x146: {  	s0 =	sadd.s32 @!p0 $0x100000, s0  }
0x147: {  	[sflag:s0] =	ssyncadd.tile.s32 @!p0 $0x1;
	_ =	shalt  }
.Lfunc_end2:
_tile_overlayer_lowered:
.L_overlay_start_2:
0x148: {  	(tag) =	ssettag $0x2  }
0x149: {  	s0 =	rddreg [dreg:$0x0];
	s2 =	stileid.u32  }
0x14a: {  	s1 =	rddreg [dreg:$0x1];
	p0 =	sne.s32 s2, $0x0  }
0x14b: {  	s3 =	rddreg [dreg:$0x2];
	[bflag:$0x3] =	sbarrier.arrive $0xFFFF;
	s2 =	simm.s32 @!p0 $0x1C11  }
0x14c: {  	[timem:s3], [sflag:s2] =	dma.local @!p0 [hbm:s0], s1  }
0x14d: {  	s0 =	simm.s32 @!p0 $0x11  }
0x14e: {  	_ =	swait.ge @!p0 [sflag:s0], s1  }
0x14f: {  	s1 =	ssub.s32 @!p0 $0x0, s1;
	[sflag:s0] =	ssyncset.done @!p0 $0x0  }
0x150: {  	[sflag:s0] =	ssyncadd.s32 @!p0 s1  }
0x151: {  	[bflag:$0x3] =	sbarrier.arrive $0xFFFF  }
0x152: {  	_ =	shalt  }

// kernel: sparse-core-data-format-call.cloned.1.call-start
scs
called_computation_lowered:
.L_overlay_start_0:
0x0: {  	s2 =	sld [smem:$0x3FD9]  }
0x1: {  	s3 =	sld [smem:$0x3FFE];
	_ =	sdelay $0x1  }
0x2: {  	s1 =	srdreg.scid  }
0x3: {  	s0 =	sand.u32 $0x1, s1  }
0x4: {  	s18 =	sshll.u32 s0, $0xA;
	s2 =	sadd.s32 s3, s2  }
0x5: {  	s2 =	sadd.s32 s2, s18  }
0x6: {  	[smem:$0x3FC6] =	sst s2  }
0x7: {  	_ = 	snop  }
0x8: {  	s2 =	sld [smem:$0x3FD0];
	(tm) =	ssettm $0x1  }
0x9: {  	s19 =	sld [smem:$0x3FFB];
	_ =	sdelay $0x3  }
0xa: {  	_ =	strace s19  }
0xb: {  	s3 =	sld [smem:$0x3FFC];
	_ =	sdelay $0x3  }
0xc: {  	_ =	strace s3  }
0xd: {  	s3 =	sld [smem:$0x3FFD];
	_ =	sdelay $0x3  }
0xe: {  	_ =	strace s3  }
0xf: {  	_ =	strace $0x8FFFFFFF  }
0x10: {  	s20 =	sld [smem:$0x3FDB];
	_ =	sdelay $0x1  }
0x11: {  	s4 =	simm.s32 $_scs_section_size  }
0x12: {  	s5 =	simm.s32 $_size__tile_overlayer_lowered;
	s6 =	simm.s32 $_tile_overlayer_lowered  }
0x13: {  	s23 =	simm.s32 $0x1BFF;
	s22 =	sshll.u32 s6, $0x1;
	s3 =	sadd.s32 s4, s20  }
0x14: {  	s7 =	simm.s32 $0x0;
	s21 =	sshll.u32 s5, $0x1;
	s5 =	sadd.s32 s22, s3  }
0x15: {  	[timem:s7], [sflag:s23] =	dma.local [hbm:s5], s21  }
0x16: {  	_ =	swait.ge [sflag:s23], s21  }
0x17: {  	s4 =	ssub.s32 $0x0, s21;
	[sflag:s23] =	ssyncset.done $0x0  }
0x18: {  	[sflag:s23] =	ssyncadd.s32 s4;
	_ =	sdelay $0x1  }
0x19: {  	s24 =	simm.s32 $0x1B8B  }
0x1a: {  	_ =	swait.ge [sflag:s24], $0x1  }
0x1b: {  	[sflag:s24] =	ssyncset.done $0x0  }
0x1c: {  	s26 =	simm.s32 $0x1B8E;
	s25 =	sld [smem:$0x3FFE];
	[sflag:s24] =	ssyncadd.s32 $0xFFFFFFFF  }
0x1d: {  	s27 =	simm.s32 $execute0_lowered;
	[smem:$0x3FD2] =	sst s26  }
0x1e: {  	s5 =	sshll.u32 s27, $0x1;
	_ =	strace $0x80000049;
	[dreg:$0x1] =	wrdreg $0xFFFFFFFF  }
0x1f: {  	s28 =	simm.s32 $_size_execute0_lowered;
	s3 =	sadd.s32 s3, s5;
	[dreg:$0x0] =	wrdreg $0x0  }
0x20: {  	s5 =	sshll.u32 s28, $0x1;
	[dreg:$0x2] =	wrdreg s3  }
0x21: {  	[dreg:$0x3] =	wrdreg s5  }
0x22: {  	[dreg:$0x4] =	wrdreg $0xC0  }
0x23: {  	_ =	task [dreg:s7], $0x5FFFF  }
0x24: {  	[dreg:$0x1] =	wrdreg $0xFFFFFFFF  }
0x25: {  	[dreg:$0x0] =	wrdreg $0x60  }
0x26: {  	[dreg:$0x2] =	wrdreg s25  }
0x27: {  	[dreg:$0x3] =	wrdreg s2  }
0x28: {  	[dreg:$0x4] =	wrdreg $0x9  }
0x29: {  	_ =	task.clear_ibuf [dreg:s7], $0x5FFFF;
	_ =	strace $0x90000049  }
0x2a: {  	s29 =	simm.s32 $0x9;
	_ =	strace $0x8000004B  }
0x2b: {  	_ =	swait.ge [sflag:s29], $0x1  }
0x2c: {  	[sflag:s29] =	ssyncadd.s32 $0xFFFFFFFF  }
0x2d: {  	_ =	strace $0x9000004B  }
0x2e: {  	_ =	sfence  }
0x2f: {  	s30 =	sld [smem:$0x0];
	_ =	sdelay $0x2  }
0x30: {  	s31 =	sshll.u32 s1, $0xD;
	s1 =	sshrl.u32 s1, $0x2  }
0x31: {  	s3 =	sand.u32 $0x4000, s31;
	s1 =	sadd.s32 s1, s30  }
0x32: {  	s0 =	sor.u32 s3, s0;
	s1 =	sshll.u32 s1, $0x11  }
0x33: {  	s0 =	sor.u32 s1, s0  }
0x34: {  	s0 =	sadd.s32 $0x8F2B, s0  }
0x35: {  	[sflag:s0] =	ssyncadd.remote.s32 $0x1  }
0x36: {  	_ =	sfence.sel $0xFFFF  }
0x37: {  	[dreg:$0x0] =	wrdreg $0xFFFFFFFF;
	(pc) =	sbr.abs _section_cstart, $3  }
0x38: {  	[dreg:$0x1] =	wrdreg $0xFFFFFFFF  }
0x39: {  	_ =	task.clear_ibuf [dreg:s7], $0x2FFFF;
	_ =	strace $0x9FFFFFFF  }
0x3a: {  	(tm) =	ssettm $0x7FFFFFFF  }
0x3b: {  	_ =	shalt  }
tec
execute0_lowered:
.L_overlay_start_1:
0x0: {  	(tag) =	ssettag $0x1  }
0x1: {  	s0 =	srdreg.scid  }
0x2: {  	s1 =	sshll.u32 s0, $0x4  }
0x3: {  	s0 =	stileid.u32;
	s1 =	sand.u32 $0x10, s1  }
0x4: {  	s7 =	rddreg [dreg:$0x0];
	s1 =	sor.u32 s0, s1  }
0x5: {  	s4 =	simm.s32 $0x1;
	s8 =	simm.s32 $0x2;
	s2 =	sshll.u32 s1, $0x7  }
0x6: {  	s13 =	simm.s32 $0x0;
	s9 =	simm.s32 $0x20000;
	s1 =	ssub.s32 $0x4000, s2  }
0x7: {  	s14 =	simm.s32 $0x0;
	s11 =	simm.s32 $0x0;
	s3 =	sand.u32 $0xF80, s1  }
0x8: {  	s12 =	simm.s32 $0x0;
	s5 =	sshrl.u32 s1, $0xC;
	p0 =	sne.s32 s3, $0x0  }
.Ltmp0:
0x9: {  	s1 =	rddreg [dreg:$0x2];
	s4 =	simm.s32 @!p0 $0x0;
	(pc) =	sbr.rel .LBB1_1-.Ltmp0, $4  }
0xa: {  	s6 =	sadd.s32 $0xA00, s7;
	s3 =	rddreg [dreg:$0x1];
	s5 =	sadd.s32 s4, s5  }
0xb: {  	_ =	strace $0x8000004A;
	s4 =	simm.s32 $0x1;
	s5 =	smul.u32 $0x19, s5  }
0xc: {  	s7 =	sadd.s32 $0x40A00, s7;
	s10 =	smov.u32 s2;
	[sflag:s4] =	ssyncpa.u1 $0x0  }
0xd: {  	p0 =	por $0x0, $0x0;
	[sflag:s8] =	ssyncpa.u1 $0x0;
	s8 =	sadd.s32 $0x1, s5  }
.LBB1_7:
0xe: {  	s15 =	sadd.s32 $0x1000, s10  }
0xf: {  	s13 =	sadd.s32 $0x2, s11;
	s17 =	smov.u32 s11;
	p2 =	sgt.s32 s15, $0x3FFF  }
0x10: {  	s17 =	smov.u32 @p2 s13  }
0x11: {  	s15 =	smov.u32 @p2 s2;
	p2 =	sgt.s32 s17, $0x31  }
0x12: {  	s17 =	simm.s32 @p2 $0x0;
	p2 =	sne.s32 s12, s8  }
.Ltmp1:
0x13: {  	p1 =	slt.u32 s12, $0x2;
	(pc) =	sbr.rel @!p2 .LBB1_8-.Ltmp1, $4  }
0x14: {  	s16 =	simm.s32 @!p1 $0x2  }
0x15: {  	s14 =	smov.u32 s11;
	p0 =	por !p0, !p0;
	_ =	swait.ge @!p1 [sflag:s16], $0x4000  }
0x16: {  	s13 =	smov.u32 s10;
	[sflag:s16] =	ssyncset.done @!p1 $0x0;
	s10 =	smov.u32 s15  }
0x17: {  	s12 =	sadd.s32 $0x1, s12;
	[sflag:s16] =	ssyncadd.s32 @!p1 $0xFFFFC000;
	s11 =	smov.u32 s17  }
.LBB1_1:
0x18: {  	p1 =	sge.u32 s12, s5  }
0x19: {  	s15 =	sxor.u32 @!p1 $0xFFFFFFFF, s12;
	s16 =	sshll.u32 @!p1 s11, $0x12  }
0x1a: {  	s17 =	sshll.u32 @!p1 s10, $0x4;
	s19 =	simm.s32 @!p1 $0x40;
	s20 =	simm.s32 @!p1 $0x80  }
0x1b: {  	s15 =	sshll.u32 @!p1 s15, $0xE;
	s17 =	sand.u32 @!p1 $0x3FFF0, s17;
	s18 =	sadd.s32 @!p1 s6, s16  }
0x1c: {  	s16 =	sadd.s32 @!p1 s16, s7;
	s15 =	sand.u32 @!p1 $0x4000, s15;
	s18 =	sadd.s32 @!p1 s17, s18  }
0x1d: {  	[tilespmem:s15], [sflag:$0x1] =	stream.strided.gather @!p1 [hbm4b:s18+s19], $0x2000, s20, s19, $0x38;
	[tilespmem:$0x10100] =	vst v63  }
0x1e: {  	s31 =	sadd.s32 $0xFFFFFFFF, s12;
	s16 =	sadd.s32 @!p1 s17, s16;
	s15 =	sor.u32 @!p1 $0x2000, s15  }
0x1f: {  	[tilespmem:s15], [sflag:$0x1] =	stream.strided.gather @!p1 [hbm4b:s16+s19], $0x2000, s20, s19, $0x38;
	[tilespmem:$0x10100] =	vst v63  }
0x20: {  	p1 =	sge.u32 s31, s5  }
.Ltmp2:
0x21: {  	_ = 	snop;
	(pc) =	sbr.rel @p1 .LBB1_7-.Ltmp2, $1  }
0x22: {  	_ =	sdelay $0x3  }
0x23: {  	s15 =	simm.s32 $0x1;
	s17 =	sand.u32 $0x1, s12  }
0x24: {  	_ =	swait.ge [sflag:s4], $0x4000;
	s15 =	simm.s32 @!p0 $0x0;
	s17 =	smul.u32 $0x10200, s17  }
0x25: {  	p2 =	por $0x1, $0x1;
	[sflag:s4] =	ssyncset.done $0x0;
	s16 =	smul.u32 $0x10200, s15  }
0x26: {  	s18 =	sshll.u32 s15, $0x10;
	[sflag:s4] =	ssyncadd.s32 $0xFFFFC000;
	s30 =	sshrl.u32 s17, $0x2  }
0x27: {  	s31 =	sshrl.u32 s18, $0x2;
	s18 =	simm.s32 $0x0;
	s16 =	sshrl.u32 s16, $0x2  }
0x28: {  	s15 =	sor.u32 $0x8000, s30;
	s17 =	sadd.s32 $0x20, s31;
	s16 =	sor.u32 $0x8000, s16  }
.LBB1_3:
0x29: {  	s19 =	sshll.u32 s18, $0xD  }
0x2a: {  	s19 =	sand.u32 $0x3FFFE000, s19  }
0x2b: {  	s21 =	sadd.s32 s19, s17  }
0x2c: {  	s31 =	smul.u32 $0x8100, s18;
	v3 =	vld [tilespmem:s21+$0x10]  }
0x2d: {  	v1 =	vld [tilespmem:s21+$0xFFFFFFF0]  }
0x2e: {  	s18 =	sshra.s32 s31, $0x2;
	v0 =	vld [tilespmem:s21+$0x0]  }
0x2f: {  	s18 =	sadd.s32 s18, s16;
	v2 =	vld [tilespmem:s21+$0xFFFFFFE0]  }
0x30: {  	s19 =	sadd.s32 $0x0, s18  }
0x31: {  	p1 =	por p2, p2;
	s20 =	simm.s32 $0x4;
	s21 =	sadd.s32 $0x40, s21;
	[tilespmem:s19+$0x1830 ss:$0x81] =	vst.msk $0xffff, v3  }
.LBB1_4:
0x32: {  	v3 =	vld [tilespmem:s21+$0x10];
	p2 =	sne.s32 s20, $0x1FC;
	[tilespmem:s19+$0x810 ss:$0x81] =	vst.msk $0xffff, v1;
	s22 =	smov.u32 s20;
	s20 =	sadd.s32 $0x4, s20  }
.Ltmp3:
0x33: {  	v1 =	vld [tilespmem:s21+$0xFFFFFFF0];
	[tilespmem:s19+$0x1020 ss:$0x81] =	vst.msk $0xffff, v0;
	(pc) =	sbr.rel @p2 .LBB1_4-.Ltmp3, $4  }
0x34: {  	v0 =	vld [tilespmem:s21+$0x0];
	[tilespmem:s19+$0x0 ss:$0x81] =	vst.msk $0xffff, v2  }
0x35: {  	s19 =	sshra.s32 s22, $0x2;
	v2 =	vld [tilespmem:s21+$0xFFFFFFE0]  }
0x36: {  	s19 =	sadd.s32 s19, s18  }
0x37: {  	s21 =	sadd.s32 $0x40, s21;
	[tilespmem:s19+$0x1830 ss:$0x81] =	vst.msk $0xffff, v3  }
.Ltmp4:
0x38: {  	(pc) =	sbr.rel @p1 .LBB1_3-.Ltmp4, $4  }
0x39: {  	_ = 	snop  }
0x3a: {  	[tilespmem:s19+$0x810 ss:$0x81] =	vst.msk $0xffff, v1  }
0x3b: {  	[tilespmem:s19+$0x1020 ss:$0x81] =	vst.msk $0xffff, v0  }
0x3c: {  	s18 =	simm.s32 $0x1;
	p2 =	por $0x0, $0x0;
	[tilespmem:s19+$0x0 ss:$0x81] =	vst.msk $0xffff, v2  }
0x3d: {  	s16 =	sshll.u32 s13, $0x3;
	s17 =	sand.u32 $0x78, s13;
	s14 =	sshll.u32 s14, $0x11  }
.Ltmp5:
0x3e: {  	s30 =	sand.u32 $0x1F800, s13;
	s16 =	sand.u32 $0x3C00, s16;
	(pc) =	sbr.rel .LBB1_7-.Ltmp5, $4  }
0x3f: {  	s31 =	sand.u32 $0x7, s13;
	s14 =	sadd.s32 s3, s14;
	s16 =	sor.u32 s17, s16  }
0x40: {  	s13 =	sshll.u32 s31, $0x12;
	s14 =	sadd.s32 s30, s14;
	s16 =	sshrl.u32 s16, $0x3  }
0x41: {  	s13 =	sor.u32 $0x400, s13;
	s14 =	sadd.s32 s16, s14  }
0x42: {  	[hbm4b:s14+s13] =	stream.strided.scatter [tilespmem:s15], [sflag:$0x2], $0x4000, s9, s13, $0x20;
	[tilespmem:$0x10100] =	vst v63  }
.LBB1_8:
0x43: {  	_ =	sfence.sel $0x180000  }
0x44: {  	s2 =	simm.s32 $0x1;
	[bflag:$0x0] =	sbarrier.arrive $0xFFFF  }
0x45: {  	s31 =	simm.s32 $0x2;
	[sflag:s2] =	ssyncpa.u1 $0x1  }
0x46: {  	[sflag:s31] =	ssyncpa.u1 $0x1  }
0x47: {  	p0 =	sne.s32 s0, $0x0;
	_ =	strace $0x9000004A  }
0x48: {  	s0 =	sadd.s32 @!p0 $0x100000, s1;
	[bflag:$0x2] =	sbarrier.arrive $0xFFFF  }
0x49: {  	[sflag:s0] =	ssyncadd.tile.s32 @!p0 $0x1;
	_ =	shalt  }
.Lfunc_end1:
_tile_overlayer_lowered:
.L_overlay_start_2:
0x4a: {  	(tag) =	ssettag $0x2  }
0x4b: {  	s0 =	rddreg [dreg:$0x0];
	s2 =	stileid.u32  }
0x4c: {  	s1 =	rddreg [dreg:$0x1];
	p0 =	sne.s32 s2, $0x0  }
0x4d: {  	s3 =	rddreg [dreg:$0x2];
	[bflag:$0x3] =	sbarrier.arrive $0xFFFF;
	s2 =	simm.s32 @!p0 $0x1C01  }
0x4e: {  	[timem:s3], [sflag:s2] =	dma.local @!p0 [hbm:s0], s1  }
0x4f: {  	s0 =	simm.s32 @!p0 $0x1  }
0x50: {  	_ =	swait.ge @!p0 [sflag:s0], s1  }
0x51: {  	s1 =	ssub.s32 @!p0 $0x0, s1;
	[sflag:s0] =	ssyncset.done @!p0 $0x0  }
0x52: {  	[sflag:s0] =	ssyncadd.s32 @!p0 s1  }
0x53: {  	[bflag:$0x3] =	sbarrier.arrive $0xFFFF  }
0x54: {  	_ =	shalt  }

</sc_bundles>
